<compile_context>
chip_gen: v7x
topology: tpu7x:2x2x1
jax: 0.10.2.dev20260603
libtpu: 0.0.44.dev20260713+nightly
codegen_flags: <defaults>
</compile_context>

<pallas_src>
import functools

import jax
import jax.numpy as jnp
from jax import lax
from jax.experimental import pallas as pl
from jax.experimental.pallas import tpu as pltpu
from jax.experimental.pallas import tpu_sc as plsc

N_NODES = 10000
N_PAD = 10240
D = 128
E_HALF = 160000
E_TILE = 10000
C = 80
NCHUNK = E_TILE // C
STRIPE = N_PAD // 16


def _mm_kernel(x_ref, lr_ref, wl_ref, wi_ref, wo_ref, xwi_ref, xwo_ref, lp_ref):
    xb = x_ref[...]
    xwi_ref[...] = jnp.dot(xb, wi_ref[...], preferred_element_type=jnp.float32)
    xwo_ref[...] = jnp.dot(xb, wo_ref[...], preferred_element_type=jnp.float32)
    lp_ref[...] = jnp.dot(xb - lr_ref[...], wl_ref[...],
                          preferred_element_type=jnp.float32)


def _rel_kernel(re_ref, wi_ref, wo_ref, wr_ref, rwi_ref, rwo_ref, ro_ref):
    rb = re_ref[...]
    rwi_ref[...] = jnp.dot(rb, wi_ref[...], preferred_element_type=jnp.float32)
    rwo_ref[...] = jnp.dot(rb, wo_ref[...], preferred_element_type=jnp.float32)
    ro_ref[...] = jnp.dot(rb, wr_ref[...], preferred_element_type=jnp.float32)


def _bn_kernel(acc_ref, loop_ref, b_ref, g_ref, be_ref, out_ref):
    s = (acc_ref[0, :N_NODES, :] + acc_ref[1, :N_NODES, :]
         + loop_ref[...]) * (1.0 / 3.0) + b_ref[...][None, :]
    mean = jnp.mean(s, axis=0, keepdims=True)
    var = jnp.mean((s - mean) ** 2, axis=0, keepdims=True)
    out_ref[...] = ((s - mean) * lax.rsqrt(var + 1e-5)
                    * g_ref[...][None, :] + be_ref[...][None, :])


def _rsqrt16(x):
    s = (x + 1.0) * 0.5
    for _ in range(22):
        s = (s + x / s) * 0.5
    return jnp.where(x > 0.0, 1.0 / s, 0.0)


SCH = 2000
NSUB = SCH // C
NSUP = E_TILE // SCH


R_PAD = 512


def _sc_body(xw, rw, dst2d, srcf, etf, out,
             dst_sc, src_sc, et_sc, norm_sc, deg_v,
             xbuf, rbuf, ones_v, zs_v, rw_sh, deg_sh, acc_sh):
    c = lax.axis_index("c")
    s = lax.axis_index("s")

    pltpu.sync_copy(rw.at[c, pl.ds(s * (R_PAD // 16), R_PAD // 16)],
                    rw_sh.at[pl.ds(s * (R_PAD // 16), R_PAD // 16)])

    def fill(i, _):
        zs_v[pl.ds(i * 16, 16)] = jnp.zeros((16,), jnp.float32)
        return 0
    lax.fori_loop(0, STRIPE // 16, fill, 0)

    def fill1(i, _):
        ones_v[pl.ds(i * 16, 16)] = jnp.ones((16,), jnp.float32)
        return 0
    lax.fori_loop(0, 7, fill1, 0)

    def fillx(i, _):
        for k in range(D // 16):
            xbuf[i, pl.ds(k * 16, 16)] = jnp.zeros((16,), jnp.float32)
        return 0
    lax.fori_loop(0, C, fillx, 0)

    pltpu.sync_copy(zs_v, deg_sh.at[pl.ds(s * STRIPE, STRIPE)])
    for b in range(STRIPE // C):
        pltpu.sync_copy(xbuf, acc_sh.at[pl.ds(s * STRIPE + b * C, C)])
    plsc.subcore_barrier()

    def hist_sup(g, _):
        pltpu.sync_copy(dst2d.at[c, s, g], dst_sc)

        def hist(j, _):
            pltpu.sync_copy(ones_v.at[pl.ds(0, C)], deg_sh.at[dst_sc.at[j]],
                            add=True)
            return 0
        lax.fori_loop(0, NSUB, hist, 0)
        return 0
    lax.fori_loop(0, NSUP, hist_sup, 0)
    plsc.subcore_barrier()

    pltpu.sync_copy(deg_sh.at[pl.ds(s * STRIPE, STRIPE)],
                    deg_v.at[pl.ds(0, STRIPE)])

    def inv(i, _):
        sl = pl.ds(i * 16, 16)
        deg_v[sl] = _rsqrt16(deg_v[sl])
        return 0
    lax.fori_loop(0, STRIPE // 16, inv, 0)
    pltpu.sync_copy(deg_v.at[pl.ds(0, STRIPE)],
                    deg_sh.at[pl.ds(s * STRIPE, STRIPE)])
    plsc.subcore_barrier()
    pltpu.sync_copy(deg_sh, deg_v)

    def sup(g, _):
        pltpu.sync_copy(dst2d.at[c, s, g], dst_sc)
        pltpu.sync_copy(srcf.at[c, s, g], src_sc)
        pltpu.sync_copy(etf.at[c, s, g], et_sc)

        def nrm(j, _):
            for gg in range(C // 16):
                i0 = dst_sc[j, pl.ds(gg * 16, 16)]
                sl = pl.ds(j * C + gg * 16, 16)
                d0 = plsc.load_gather(deg_v, [i0])
                d1 = plsc.load_gather(deg_v, [src_sc[sl] - c * N_NODES])
                norm_sc[sl] = d0 * d1
            return 0
        lax.fori_loop(0, NSUB, nrm, 0)

        def chunk(j, _):
            pltpu.sync_copy(xw.at[src_sc.at[pl.ds(j * C, C)]], xbuf)
            pltpu.sync_copy(rw_sh.at[et_sc.at[pl.ds(j * C, C)]], rbuf)

            @plsc.parallel_loop(0, C, unroll=2)
            def edge(e):
                n = plsc.load_gather(norm_sc, [jnp.full((16,), j * C + e,
                                                        jnp.int32)])
                for k in range(D // 16):
                    sl = pl.ds(k * 16, 16)
                    xbuf[e, sl] = (xbuf[e, sl] - rbuf[e, sl]) * n
            pltpu.sync_copy(xbuf, acc_sh.at[dst_sc.at[j]], add=True)
            return 0
        lax.fori_loop(0, NSUB, chunk, 0)
        return 0
    lax.fori_loop(0, NSUP, sup, 0)
    plsc.subcore_barrier()

    pltpu.sync_copy(acc_sh.at[pl.ds(s * STRIPE, STRIPE)],
                    out.at[c, pl.ds(s * STRIPE, STRIPE)])


def _sc_call(xw_cat, rw_cat, dst2d, srcf, etf):
    mesh = plsc.VectorSubcoreMesh(core_axis_name="c", subcore_axis_name="s",
                                  num_cores=2, num_subcores=16)
    return pl.kernel(
        _sc_body,
        out_type=jax.ShapeDtypeStruct((2, N_PAD, D), jnp.float32),
        mesh=mesh,
        compiler_params=pltpu.CompilerParams(needs_layout_passes=False),
        scratch_types=[
            pltpu.VMEM((NSUB, C), jnp.int32),
            pltpu.VMEM((SCH,), jnp.int32),
            pltpu.VMEM((SCH,), jnp.int32),
            pltpu.VMEM((SCH,), jnp.float32),
            pltpu.VMEM((N_PAD,), jnp.float32),
            pltpu.VMEM((C, D), jnp.float32),
            pltpu.VMEM((C, D), jnp.float32),
            pltpu.VMEM((112,), jnp.float32),
            pltpu.VMEM((STRIPE,), jnp.float32),
            pltpu.VMEM_SHARED((R_PAD, D), jnp.float32),
            pltpu.VMEM_SHARED((N_PAD,), jnp.float32),
            pltpu.VMEM_SHARED((N_PAD, D), jnp.float32),
        ],
    )(xw_cat, rw_cat, dst2d, srcf, etf)


def kernel(x, edge_index, edge_type, rel_embed, w_loop, w_in, w_out, w_rel,
           loop_rel, bias, bn_gamma, bn_beta):
    nb = 10
    xw_in, xw_out, loop_res = pl.pallas_call(
        _mm_kernel,
        grid=(nb,),
        in_specs=[
            pl.BlockSpec((N_NODES // nb, D), lambda i: (i, 0)),
            pl.BlockSpec((1, D), lambda i: (0, 0)),
            pl.BlockSpec((D, D), lambda i: (0, 0)),
            pl.BlockSpec((D, D), lambda i: (0, 0)),
            pl.BlockSpec((D, D), lambda i: (0, 0)),
        ],
        out_specs=[
            pl.BlockSpec((N_NODES // nb, D), lambda i: (i, 0)),
            pl.BlockSpec((N_NODES // nb, D), lambda i: (i, 0)),
            pl.BlockSpec((N_NODES // nb, D), lambda i: (i, 0)),
        ],
        out_shape=[jax.ShapeDtypeStruct((N_NODES, D), jnp.float32)] * 3,
    )(x, loop_rel, w_loop, w_in, w_out)

    rw_in, rw_out, rel_out = pl.pallas_call(
        _rel_kernel,
        out_shape=[jax.ShapeDtypeStruct((rel_embed.shape[0], D), jnp.float32)] * 3,
    )(rel_embed, w_in, w_out, w_rel)

    half_off = jnp.array([0, N_NODES], jnp.int32)[:, None, None]
    srcf = (edge_index[1].reshape(2, 16, E_TILE)
            + half_off).reshape(2, 16, NSUP, SCH)
    etf = edge_type.reshape(2, 16, NSUP, SCH)
    dst2d = edge_index[0].reshape(2, 16, NSUP, NSUB, C)
    xw_cat = jnp.concatenate([xw_in, xw_out], axis=0)
    nrel = rel_embed.shape[0]
    rw2 = jnp.zeros((2, R_PAD, D), jnp.float32)
    rw2 = rw2.at[0, :nrel].set(rw_in).at[1, :nrel].set(rw_out)

    acc = _sc_call(xw_cat, rw2, dst2d, srcf, etf)

    out = pl.pallas_call(
        _bn_kernel,
        out_shape=jax.ShapeDtypeStruct((N_NODES, D), jnp.float32),
    )(acc, loop_res, bias, bn_gamma, bn_beta)
    return out, rel_out

# --- scband reference (transcript-rebuilt; emitter-appended) ---
"""Pipeline reference for scband-comp-gcnbase-86260123173503 (READ-ONLY COPY).

The authoritative reference and input builder live on the scoring server;
editing this copy changes nothing except your own understanding.
"""

import jax, jax.numpy as jnp
import numpy as np

N_NODES = 10000
N_EDGES = 320000
D = 128
NUM_REL2 = 474  # 2 * num_rels


def setup_inputs(seed: int = 0) -> dict:
    key = jax.random.key(seed)
    ks = jax.random.split(key, 12)
    x = jax.random.normal(ks[0], (N_NODES, D), dtype=jnp.float32)
    edge_index = jax.random.randint(ks[1], (2, N_EDGES), 0, N_NODES, dtype=jnp.int32)
    edge_type = jax.random.randint(ks[2], (N_EDGES,), 0, NUM_REL2, dtype=jnp.int32)
    rel_embed = jax.random.normal(ks[3], (NUM_REL2, D), dtype=jnp.float32)
    sc = 1.0 / np.sqrt(D)
    w_loop = jax.random.normal(ks[4], (D, D), dtype=jnp.float32) * sc
    w_in = jax.random.normal(ks[5], (D, D), dtype=jnp.float32) * sc
    w_out = jax.random.normal(ks[6], (D, D), dtype=jnp.float32) * sc
    w_rel = jax.random.normal(ks[7], (D, D), dtype=jnp.float32) * sc
    loop_rel = jax.random.normal(ks[8], (1, D), dtype=jnp.float32) * sc
    bias = jnp.zeros((D,), dtype=jnp.float32)
    bn_gamma = jnp.ones((D,), dtype=jnp.float32)
    bn_beta = jnp.zeros((D,), dtype=jnp.float32)
    return {"x": x, "edge_index": edge_index, "edge_type": edge_type, "rel_embed": rel_embed,
            "w_loop": w_loop, "w_in": w_in, "w_out": w_out, "w_rel": w_rel,
            "loop_rel": loop_rel, "bias": bias, "bn_gamma": bn_gamma, "bn_beta": bn_beta}


def _compute_norm(ei, num_ent):
    row, col = ei[0], ei[1]
    deg = jnp.zeros((num_ent,), jnp.float32).at[row].add(1.0)
    deg_inv = jnp.where(deg > 0, deg ** -0.5, 0.0)
    return deg_inv[row] * deg_inv[col]


def reference(x, edge_index, edge_type, rel_embed, w_loop, w_in, w_out, w_rel, loop_rel, bias, bn_gamma, bn_beta):
    num_ent = x.shape[0]
    rel_all = jnp.concatenate([rel_embed, loop_rel], axis=0)  # [2R+1, D]
    E = edge_index.shape[1] // 2
    in_idx, out_idx = edge_index[:, :E], edge_index[:, E:]
    in_t, out_t = edge_type[:E], edge_type[E:]
    in_norm = _compute_norm(in_idx, num_ent)
    out_norm = _compute_norm(out_idx, num_ent)

    def prop(ei, et, norm, W):
        x_j = x[ei[1]]                      # gather source nodes
        r = rel_all[et]                     # gather relation embeddings
        msg = (x_j - r) @ W                 # opn='sub' composition + linear
        msg = msg * norm[:, None]
        return jnp.zeros((num_ent, W.shape[1]), x.dtype).at[ei[0]].add(msg)  # scatter-add

    in_res = prop(in_idx, in_t, in_norm, w_in)
    out_res = prop(out_idx, out_t, out_norm, w_out)
    loop_res = (x - rel_all[-1][None, :]) @ w_loop  # self-loop, no norm
    out = in_res * (1.0 / 3) + out_res * (1.0 / 3) + loop_res * (1.0 / 3)
    out = out + bias
    mean = out.mean(axis=0)
    var = out.var(axis=0)
    out = (out - mean) / jnp.sqrt(var + 1e-5) * bn_gamma + bn_beta  # BatchNorm1d (training stats, eval dropout)
    rel_out = (rel_all @ w_rel)[:-1]
    return out, rel_out

if __name__ == "__main__":
    import jax
    _d = setup_inputs()
    print(jax.jit(kernel)(*tuple(_d.values())))

</pallas_src>

<mosaic_0001>
#map = affine_map<(d0, d1) -> (0, 0)>
#map1 = affine_map<(d0, d1) -> (0, 0, 0)>
#map2 = affine_map<(d0, d1) -> (0, 0, 0, 0, 0)>
#map3 = affine_map<(d0, d1) -> (0, 0, 0, 0)>
module attributes {stable_mosaic.version = 14 : i64} {
  func.func @_sc_body(%arg0: i32, %arg1: i32, %arg2: memref<20000x128xf32, #tpu.memory_space<hbm>>, %arg3: memref<2x512x128xf32, #tpu.memory_space<hbm>>, %arg4: memref<2x16x5x25x80xi32, #tpu.memory_space<hbm>>, %arg5: memref<2x16x5x2000xi32, #tpu.memory_space<hbm>>, %arg6: memref<2x16x5x2000xi32, #tpu.memory_space<hbm>>, %arg7: memref<2x10240x128xf32, #tpu.memory_space<hbm>>, %arg8: memref<25x80xi32, #tpu.memory_space<vmem>>, %arg9: memref<2000xi32, #tpu.memory_space<vmem>>, %arg10: memref<2000xi32, #tpu.memory_space<vmem>>, %arg11: memref<2000xf32, #tpu.memory_space<vmem>>, %arg12: memref<10240xf32, #tpu.memory_space<vmem>>, %arg13: memref<80x128xf32, #tpu.memory_space<vmem>>, %arg14: memref<80x128xf32, #tpu.memory_space<vmem>>, %arg15: memref<112xf32, #tpu.memory_space<vmem>>, %arg16: memref<640xf32, #tpu.memory_space<vmem>>, %arg17: memref<512x128xf32, #tpu.memory_space<vmem_shared>>, %arg18: memref<10240xf32, #tpu.memory_space<vmem_shared>>, %arg19: memref<10240x128xf32, #tpu.memory_space<vmem_shared>>) attributes {dimension_semantics = [#tpu.dimension_semantics<core_parallel>, #tpu.dimension_semantics<subcore_parallel>], iteration_bounds = array<i64: 2, 16>, scalar_prefetch = 0 : i64, scratch_operands = 12 : i64, tpu.core_type = #tpu.core_type<sc_vector_subcore>, window_params = [{transform_indices = #map}, {transform_indices = #map1}, {transform_indices = #map2}, {transform_indices = #map3}, {transform_indices = #map3}, {transform_indices = #map1}]} {
    %mul3A = arith.constant 32 : i32
    %mul3A_0 = arith.muli %arg1, %mul3A : i32
    %mul3A_1 = arith.constant 32 : i32
    %mul3A_2 = arith.muli %arg1, %mul3A_1 : i32
    "tpu.region"() ({
      %run_scoped3A = tpu.sem_alloc : memref<!tpu.dma_semaphore, #tpu.memory_space<semaphore_mem>>
      %dma_start3A = arith.constant 0 : i32
      %dma_start3A_88 = tpu.memref_slice %arg17[%mul3A_2, %dma_start3A] : memref<512x128xf32, #tpu.memory_space<vmem_shared>> -> memref<32x128xf32, #tpu.memory_space<vmem_shared>>
      %dma_start3A_89 = arith.constant 0 : i32
      %dma_start3A_90 = tpu.memref_slice %arg3[%arg0, %mul3A_0, %dma_start3A_89] : memref<2x512x128xf32, #tpu.memory_space<hbm>> -> memref<1x32x128xf32, #tpu.memory_space<hbm>>
      %dma_start3A_91 = tpu.memref_squeeze %dma_start3A_90 : memref<1x32x128xf32, #tpu.memory_space<hbm>> -> memref<32x128xf32, #tpu.memory_space<hbm>>
      tpu.enqueue_dma source(%dma_start3A_91 : memref<32x128xf32, #tpu.memory_space<hbm>>) target(%dma_start3A_88 : memref<32x128xf32, #tpu.memory_space<vmem_shared>>) target_semaphore(%run_scoped3A : memref<!tpu.dma_semaphore, #tpu.memory_space<semaphore_mem>>)
      %dma_wait3A = arith.constant 0 : i32
      %dma_wait3A_92 = tpu.memref_slice %arg17[%mul3A_2, %dma_wait3A] : memref<512x128xf32, #tpu.memory_space<vmem_shared>> -> memref<32x128xf32, #tpu.memory_space<vmem_shared>>
      %dma_wait3A_93 = arith.constant 0 : i32
      %dma_wait3A_94 = tpu.memref_slice %arg3[%arg0, %mul3A_0, %dma_wait3A_93] : memref<2x512x128xf32, #tpu.memory_space<hbm>> -> memref<1x32x128xf32, #tpu.memory_space<hbm>>
      %dma_wait3A_95 = tpu.memref_squeeze %dma_wait3A_94 : memref<1x32x128xf32, #tpu.memory_space<hbm>> -> memref<32x128xf32, #tpu.memory_space<hbm>>
      tpu.wait_dma2 semaphore(%run_scoped3A : memref<!tpu.dma_semaphore, #tpu.memory_space<semaphore_mem>>) src(%dma_wait3A_95 : memref<32x128xf32, #tpu.memory_space<hbm>>) dst(%dma_wait3A_92 : memref<32x128xf32, #tpu.memory_space<vmem_shared>>)
      tpu.yield
    }) : () -> ()
    %scan3A = arith.constant 0 : i32
    %scan3A_3 = arith.constant 0 : i32
    %scan3A_4 = arith.constant 40 : i32
    %scan3A_5 = arith.addi %scan3A_3, %scan3A_4 : i32
    %scan3A_6 = arith.constant 1 : i32
    %scan3A_7 = scf.for %scan3A_88 = %scan3A_3 to %scan3A_5 step %scan3A_6 iter_args(%scan3A_89 = %scan3A) -> (i32)  : i32 {
      %broadcast_in_dim3A = arith.constant 0.000000e+00 : f32
      %broadcast_in_dim3A_90 = vector.broadcast %broadcast_in_dim3A : f32 to vector<16xf32>
      %mul3A_91 = arith.constant 16 : i32
      %mul3A_92 = arith.muli %scan3A_88, %mul3A_91 : i32
      %swap3A = arith.index_cast %mul3A_92 : i32 to index
      %swap3A_93 = tpu.vector_load %arg16[%swap3A] {strides = array<i32>} : memref<640xf32, #tpu.memory_space<vmem>>, vector<16xf32>,
      tpu.vector_store %arg16[%swap3A], %broadcast_in_dim3A_90 {strides = array<i32>} : memref<640xf32, #tpu.memory_space<vmem>>, vector<16xf32>,
      %scan3A_94 = arith.constant 0 : i32
      scf.yield %scan3A_94 : i32
    }
    %scan3A_8 = arith.constant 40 : i32
    %scan3A_9 = arith.constant 0 : i32
    %scan3A_10 = arith.constant 0 : i32
    %scan3A_11 = arith.constant 7 : i32
    %scan3A_12 = arith.addi %scan3A_10, %scan3A_11 : i32
    %scan3A_13 = arith.constant 1 : i32
    %scan3A_14 = scf.for %scan3A_88 = %scan3A_10 to %scan3A_12 step %scan3A_13 iter_args(%scan3A_89 = %scan3A_9) -> (i32)  : i32 {
      %broadcast_in_dim3A = arith.constant 1.000000e+00 : f32
      %broadcast_in_dim3A_90 = vector.broadcast %broadcast_in_dim3A : f32 to vector<16xf32>
      %mul3A_91 = arith.constant 16 : i32
      %mul3A_92 = arith.muli %scan3A_88, %mul3A_91 : i32
      %swap3A = arith.index_cast %mul3A_92 : i32 to index
      %swap3A_93 = tpu.vector_load %arg15[%swap3A] {strides = array<i32>} : memref<112xf32, #tpu.memory_space<vmem>>, vector<16xf32>,
      tpu.vector_store %arg15[%swap3A], %broadcast_in_dim3A_90 {strides = array<i32>} : memref<112xf32, #tpu.memory_space<vmem>>, vector<16xf32>,
      %scan3A_94 = arith.constant 0 : i32
      scf.yield %scan3A_94 : i32
    }
    %scan3A_15 = arith.constant 7 : i32
    %scan3A_16 = arith.constant 0 : i32
    %scan3A_17 = arith.constant 0 : i32
    %scan3A_18 = arith.constant 80 : i32
    %scan3A_19 = arith.addi %scan3A_17, %scan3A_18 : i32
    %scan3A_20 = arith.constant 1 : i32
    %scan3A_21 = scf.for %scan3A_88 = %scan3A_17 to %scan3A_19 step %scan3A_20 iter_args(%scan3A_89 = %scan3A_16) -> (i32)  : i32 {
      %broadcast_in_dim3A = arith.constant 0.000000e+00 : f32
      %broadcast_in_dim3A_90 = vector.broadcast %broadcast_in_dim3A : f32 to vector<16xf32>
      %swap3A = arith.index_cast %scan3A_88 : i32 to index
      %swap3A_91 = arith.constant 0 : index
      %swap3A_92 = tpu.vector_load %arg13[%swap3A, %swap3A_91] {strides = array<i32>} : memref<80x128xf32, #tpu.memory_space<vmem>>, vector<16xf32>,
      tpu.vector_store %arg13[%swap3A, %swap3A_91], %broadcast_in_dim3A_90 {strides = array<i32>} : memref<80x128xf32, #tpu.memory_space<vmem>>, vector<16xf32>,
      %broadcast_in_dim3A_93 = arith.constant 0.000000e+00 : f32
      %broadcast_in_dim3A_94 = vector.broadcast %broadcast_in_dim3A_93 : f32 to vector<16xf32>
      %swap3A_95 = arith.index_cast %scan3A_88 : i32 to index
      %swap3A_96 = arith.constant 16 : index
      %swap3A_97 = tpu.vector_load %arg13[%swap3A_95, %swap3A_96] {strides = array<i32>} : memref<80x128xf32, #tpu.memory_space<vmem>>, vector<16xf32>,
      tpu.vector_store %arg13[%swap3A_95, %swap3A_96], %broadcast_in_dim3A_94 {strides = array<i32>} : memref<80x128xf32, #tpu.memory_space<vmem>>, vector<16xf32>,
      %broadcast_in_dim3A_98 = arith.constant 0.000000e+00 : f32
      %broadcast_in_dim3A_99 = vector.broadcast %broadcast_in_dim3A_98 : f32 to vector<16xf32>
      %swap3A_100 = arith.index_cast %scan3A_88 : i32 to index
      %swap3A_101 = arith.constant 32 : index
      %swap3A_102 = tpu.vector_load %arg13[%swap3A_100, %swap3A_101] {strides = array<i32>} : memref<80x128xf32, #tpu.memory_space<vmem>>, vector<16xf32>,
      tpu.vector_store %arg13[%swap3A_100, %swap3A_101], %broadcast_in_dim3A_99 {strides = array<i32>} : memref<80x128xf32, #tpu.memory_space<vmem>>, vector<16xf32>,
      %broadcast_in_dim3A_103 = arith.constant 0.000000e+00 : f32
      %broadcast_in_dim3A_104 = vector.broadcast %broadcast_in_dim3A_103 : f32 to vector<16xf32>
      %swap3A_105 = arith.index_cast %scan3A_88 : i32 to index
      %swap3A_106 = arith.constant 48 : index
      %swap3A_107 = tpu.vector_load %arg13[%swap3A_105, %swap3A_106] {strides = array<i32>} : memref<80x128xf32, #tpu.memory_space<vmem>>, vector<16xf32>,
      tpu.vector_store %arg13[%swap3A_105, %swap3A_106], %broadcast_in_dim3A_104 {strides = array<i32>} : memref<80x128xf32, #tpu.memory_space<vmem>>, vector<16xf32>,
      %broadcast_in_dim3A_108 = arith.constant 0.000000e+00 : f32
      %broadcast_in_dim3A_109 = vector.broadcast %broadcast_in_dim3A_108 : f32 to vector<16xf32>
      %swap3A_110 = arith.index_cast %scan3A_88 : i32 to index
      %swap3A_111 = arith.constant 64 : index
      %swap3A_112 = tpu.vector_load %arg13[%swap3A_110, %swap3A_111] {strides = array<i32>} : memref<80x128xf32, #tpu.memory_space<vmem>>, vector<16xf32>,
      tpu.vector_store %arg13[%swap3A_110, %swap3A_111], %broadcast_in_dim3A_109 {strides = array<i32>} : memref<80x128xf32, #tpu.memory_space<vmem>>, vector<16xf32>,
      %broadcast_in_dim3A_113 = arith.constant 0.000000e+00 : f32
      %broadcast_in_dim3A_114 = vector.broadcast %broadcast_in_dim3A_113 : f32 to vector<16xf32>
      %swap3A_115 = arith.index_cast %scan3A_88 : i32 to index
      %swap3A_116 = arith.constant 80 : index
      %swap3A_117 = tpu.vector_load %arg13[%swap3A_115, %swap3A_116] {strides = array<i32>} : memref<80x128xf32, #tpu.memory_space<vmem>>, vector<16xf32>,
      tpu.vector_store %arg13[%swap3A_115, %swap3A_116], %broadcast_in_dim3A_114 {strides = array<i32>} : memref<80x128xf32, #tpu.memory_space<vmem>>, vector<16xf32>,
      %broadcast_in_dim3A_118 = arith.constant 0.000000e+00 : f32
      %broadcast_in_dim3A_119 = vector.broadcast %broadcast_in_dim3A_118 : f32 to vector<16xf32>
      %swap3A_120 = arith.index_cast %scan3A_88 : i32 to index
      %swap3A_121 = arith.constant 96 : index
      %swap3A_122 = tpu.vector_load %arg13[%swap3A_120, %swap3A_121] {strides = array<i32>} : memref<80x128xf32, #tpu.memory_space<vmem>>, vector<16xf32>,
      tpu.vector_store %arg13[%swap3A_120, %swap3A_121], %broadcast_in_dim3A_119 {strides = array<i32>} : memref<80x128xf32, #tpu.memory_space<vmem>>, vector<16xf32>,
      %broadcast_in_dim3A_123 = arith.constant 0.000000e+00 : f32
      %broadcast_in_dim3A_124 = vector.broadcast %broadcast_in_dim3A_123 : f32 to vector<16xf32>
      %swap3A_125 = arith.index_cast %scan3A_88 : i32 to index
      %swap3A_126 = arith.constant 112 : index
      %swap3A_127 = tpu.vector_load %arg13[%swap3A_125, %swap3A_126] {strides = array<i32>} : memref<80x128xf32, #tpu.memory_space<vmem>>, vector<16xf32>,
      tpu.vector_store %arg13[%swap3A_125, %swap3A_126], %broadcast_in_dim3A_124 {strides = array<i32>} : memref<80x128xf32, #tpu.memory_space<vmem>>, vector<16xf32>,
      %scan3A_128 = arith.constant 0 : i32
      scf.yield %scan3A_128 : i32
    }
    %scan3A_22 = arith.constant 80 : i32
    %mul3A_23 = arith.constant 640 : i32
    %mul3A_24 = arith.muli %arg1, %mul3A_23 : i32
    "tpu.region"() ({
      %run_scoped3A = tpu.sem_alloc : memref<!tpu.dma_semaphore, #tpu.memory_space<semaphore_mem>>
      %dma_start3A = tpu.memref_slice %arg18[%mul3A_24] : memref<10240xf32, #tpu.memory_space<vmem_shared>> -> memref<640xf32, #tpu.memory_space<vmem_shared>>
      %dma_start3A_88 = tpu.memref_slice %arg18[%mul3A_24] : memref<10240xf32, #tpu.memory_space<vmem_shared>> -> memref<640xf32, #tpu.memory_space<vmem_shared>>
      tpu.enqueue_dma source(%arg16 : memref<640xf32, #tpu.memory_space<vmem>>) target(%dma_start3A_88 : memref<640xf32, #tpu.memory_space<vmem_shared>>) target_semaphore(%run_scoped3A : memref<!tpu.dma_semaphore, #tpu.memory_space<semaphore_mem>>)
      %dma_wait3A = tpu.memref_slice %arg18[%mul3A_24] : memref<10240xf32, #tpu.memory_space<vmem_shared>> -> memref<640xf32, #tpu.memory_space<vmem_shared>>
      %dma_wait3A_89 = tpu.memref_slice %arg18[%mul3A_24] : memref<10240xf32, #tpu.memory_space<vmem_shared>> -> memref<640xf32, #tpu.memory_space<vmem_shared>>
      tpu.wait_dma2 semaphore(%run_scoped3A : memref<!tpu.dma_semaphore, #tpu.memory_space<semaphore_mem>>) src(%arg16 : memref<640xf32, #tpu.memory_space<vmem>>) dst(%dma_wait3A_89 : memref<640xf32, #tpu.memory_space<vmem_shared>>)
      tpu.yield
    }) : () -> ()
    %mul3A_25 = arith.constant 640 : i32
    %mul3A_26 = arith.muli %arg1, %mul3A_25 : i32
    %add3A = arith.constant 0 : i32
    %add3A_27 = arith.addi %mul3A_26, %add3A : i32
    "tpu.region"() ({
      %run_scoped3A = tpu.sem_alloc : memref<!tpu.dma_semaphore, #tpu.memory_space<semaphore_mem>>
      %dma_start3A = arith.constant 0 : i32
      %dma_start3A_88 = tpu.memref_slice %arg19[%add3A_27, %dma_start3A] : memref<10240x128xf32, #tpu.memory_space<vmem_shared>> -> memref<80x128xf32, #tpu.memory_space<vmem_shared>>
      %dma_start3A_89 = arith.constant 0 : i32
      %dma_start3A_90 = tpu.memref_slice %arg19[%add3A_27, %dma_start3A_89] : memref<10240x128xf32, #tpu.memory_space<vmem_shared>> -> memref<80x128xf32, #tpu.memory_space<vmem_shared>>
      tpu.enqueue_dma source(%arg13 : memref<80x128xf32, #tpu.memory_space<vmem>>) target(%dma_start3A_90 : memref<80x128xf32, #tpu.memory_space<vmem_shared>>) target_semaphore(%run_scoped3A : memref<!tpu.dma_semaphore, #tpu.memory_space<semaphore_mem>>)
      %dma_wait3A = arith.constant 0 : i32
      %dma_wait3A_91 = tpu.memref_slice %arg19[%add3A_27, %dma_wait3A] : memref<10240x128xf32, #tpu.memory_space<vmem_shared>> -> memref<80x128xf32, #tpu.memory_space<vmem_shared>>
      %dma_wait3A_92 = arith.constant 0 : i32
      %dma_wait3A_93 = tpu.memref_slice %arg19[%add3A_27, %dma_wait3A_92] : memref<10240x128xf32, #tpu.memory_space<vmem_shared>> -> memref<80x128xf32, #tpu.memory_space<vmem_shared>>
      tpu.wait_dma2 semaphore(%run_scoped3A : memref<!tpu.dma_semaphore, #tpu.memory_space<semaphore_mem>>) src(%arg13 : memref<80x128xf32, #tpu.memory_space<vmem>>) dst(%dma_wait3A_93 : memref<80x128xf32, #tpu.memory_space<vmem_shared>>)
      tpu.yield
    }) : () -> ()
    %mul3A_28 = arith.constant 640 : i32
    %mul3A_29 = arith.muli %arg1, %mul3A_28 : i32
    %add3A_30 = arith.constant 80 : i32
    %add3A_31 = arith.addi %mul3A_29, %add3A_30 : i32
    "tpu.region"() ({
      %run_scoped3A = tpu.sem_alloc : memref<!tpu.dma_semaphore, #tpu.memory_space<semaphore_mem>>
      %dma_start3A = arith.constant 0 : i32
      %dma_start3A_88 = tpu.memref_slice %arg19[%add3A_31, %dma_start3A] : memref<10240x128xf32, #tpu.memory_space<vmem_shared>> -> memref<80x128xf32, #tpu.memory_space<vmem_shared>>
      %dma_start3A_89 = arith.constant 0 : i32
      %dma_start3A_90 = tpu.memref_slice %arg19[%add3A_31, %dma_start3A_89] : memref<10240x128xf32, #tpu.memory_space<vmem_shared>> -> memref<80x128xf32, #tpu.memory_space<vmem_shared>>
      tpu.enqueue_dma source(%arg13 : memref<80x128xf32, #tpu.memory_space<vmem>>) target(%dma_start3A_90 : memref<80x128xf32, #tpu.memory_space<vmem_shared>>) target_semaphore(%run_scoped3A : memref<!tpu.dma_semaphore, #tpu.memory_space<semaphore_mem>>)
      %dma_wait3A = arith.constant 0 : i32
      %dma_wait3A_91 = tpu.memref_slice %arg19[%add3A_31, %dma_wait3A] : memref<10240x128xf32, #tpu.memory_space<vmem_shared>> -> memref<80x128xf32, #tpu.memory_space<vmem_shared>>
      %dma_wait3A_92 = arith.constant 0 : i32
      %dma_wait3A_93 = tpu.memref_slice %arg19[%add3A_31, %dma_wait3A_92] : memref<10240x128xf32, #tpu.memory_space<vmem_shared>> -> memref<80x128xf32, #tpu.memory_space<vmem_shared>>
      tpu.wait_dma2 semaphore(%run_scoped3A : memref<!tpu.dma_semaphore, #tpu.memory_space<semaphore_mem>>) src(%arg13 : memref<80x128xf32, #tpu.memory_space<vmem>>) dst(%dma_wait3A_93 : memref<80x128xf32, #tpu.memory_space<vmem_shared>>)
      tpu.yield
    }) : () -> ()
    %mul3A_32 = arith.constant 640 : i32
    %mul3A_33 = arith.muli %arg1, %mul3A_32 : i32
    %add3A_34 = arith.constant 160 : i32
    %add3A_35 = arith.addi %mul3A_33, %add3A_34 : i32
    "tpu.region"() ({
      %run_scoped3A = tpu.sem_alloc : memref<!tpu.dma_semaphore, #tpu.memory_space<semaphore_mem>>
      %dma_start3A = arith.constant 0 : i32
      %dma_start3A_88 = tpu.memref_slice %arg19[%add3A_35, %dma_start3A] : memref<10240x128xf32, #tpu.memory_space<vmem_shared>> -> memref<80x128xf32, #tpu.memory_space<vmem_shared>>
      %dma_start3A_89 = arith.constant 0 : i32
      %dma_start3A_90 = tpu.memref_slice %arg19[%add3A_35, %dma_start3A_89] : memref<10240x128xf32, #tpu.memory_space<vmem_shared>> -> memref<80x128xf32, #tpu.memory_space<vmem_shared>>
      tpu.enqueue_dma source(%arg13 : memref<80x128xf32, #tpu.memory_space<vmem>>) target(%dma_start3A_90 : memref<80x128xf32, #tpu.memory_space<vmem_shared>>) target_semaphore(%run_scoped3A : memref<!tpu.dma_semaphore, #tpu.memory_space<semaphore_mem>>)
      %dma_wait3A = arith.constant 0 : i32
      %dma_wait3A_91 = tpu.memref_slice %arg19[%add3A_35, %dma_wait3A] : memref<10240x128xf32, #tpu.memory_space<vmem_shared>> -> memref<80x128xf32, #tpu.memory_space<vmem_shared>>
      %dma_wait3A_92 = arith.constant 0 : i32
      %dma_wait3A_93 = tpu.memref_slice %arg19[%add3A_35, %dma_wait3A_92] : memref<10240x128xf32, #tpu.memory_space<vmem_shared>> -> memref<80x128xf32, #tpu.memory_space<vmem_shared>>
      tpu.wait_dma2 semaphore(%run_scoped3A : memref<!tpu.dma_semaphore, #tpu.memory_space<semaphore_mem>>) src(%arg13 : memref<80x128xf32, #tpu.memory_space<vmem>>) dst(%dma_wait3A_93 : memref<80x128xf32, #tpu.memory_space<vmem_shared>>)
      tpu.yield
    }) : () -> ()
    %mul3A_36 = arith.constant 640 : i32
    %mul3A_37 = arith.muli %arg1, %mul3A_36 : i32
    %add3A_38 = arith.constant 240 : i32
    %add3A_39 = arith.addi %mul3A_37, %add3A_38 : i32
    "tpu.region"() ({
      %run_scoped3A = tpu.sem_alloc : memref<!tpu.dma_semaphore, #tpu.memory_space<semaphore_mem>>
      %dma_start3A = arith.constant 0 : i32
      %dma_start3A_88 = tpu.memref_slice %arg19[%add3A_39, %dma_start3A] : memref<10240x128xf32, #tpu.memory_space<vmem_shared>> -> memref<80x128xf32, #tpu.memory_space<vmem_shared>>
      %dma_start3A_89 = arith.constant 0 : i32
      %dma_start3A_90 = tpu.memref_slice %arg19[%add3A_39, %dma_start3A_89] : memref<10240x128xf32, #tpu.memory_space<vmem_shared>> -> memref<80x128xf32, #tpu.memory_space<vmem_shared>>
      tpu.enqueue_dma source(%arg13 : memref<80x128xf32, #tpu.memory_space<vmem>>) target(%dma_start3A_90 : memref<80x128xf32, #tpu.memory_space<vmem_shared>>) target_semaphore(%run_scoped3A : memref<!tpu.dma_semaphore, #tpu.memory_space<semaphore_mem>>)
      %dma_wait3A = arith.constant 0 : i32
      %dma_wait3A_91 = tpu.memref_slice %arg19[%add3A_39, %dma_wait3A] : memref<10240x128xf32, #tpu.memory_space<vmem_shared>> -> memref<80x128xf32, #tpu.memory_space<vmem_shared>>
      %dma_wait3A_92 = arith.constant 0 : i32
      %dma_wait3A_93 = tpu.memref_slice %arg19[%add3A_39, %dma_wait3A_92] : memref<10240x128xf32, #tpu.memory_space<vmem_shared>> -> memref<80x128xf32, #tpu.memory_space<vmem_shared>>
      tpu.wait_dma2 semaphore(%run_scoped3A : memref<!tpu.dma_semaphore, #tpu.memory_space<semaphore_mem>>) src(%arg13 : memref<80x128xf32, #tpu.memory_space<vmem>>) dst(%dma_wait3A_93 : memref<80x128xf32, #tpu.memory_space<vmem_shared>>)
      tpu.yield
    }) : () -> ()
    %mul3A_40 = arith.constant 640 : i32
    %mul3A_41 = arith.muli %arg1, %mul3A_40 : i32
    %add3A_42 = arith.constant 320 : i32
    %add3A_43 = arith.addi %mul3A_41, %add3A_42 : i32
    "tpu.region"() ({
      %run_scoped3A = tpu.sem_alloc : memref<!tpu.dma_semaphore, #tpu.memory_space<semaphore_mem>>
      %dma_start3A = arith.constant 0 : i32
      %dma_start3A_88 = tpu.memref_slice %arg19[%add3A_43, %dma_start3A] : memref<10240x128xf32, #tpu.memory_space<vmem_shared>> -> memref<80x128xf32, #tpu.memory_space<vmem_shared>>
      %dma_start3A_89 = arith.constant 0 : i32
      %dma_start3A_90 = tpu.memref_slice %arg19[%add3A_43, %dma_start3A_89] : memref<10240x128xf32, #tpu.memory_space<vmem_shared>> -> memref<80x128xf32, #tpu.memory_space<vmem_shared>>
      tpu.enqueue_dma source(%arg13 : memref<80x128xf32, #tpu.memory_space<vmem>>) target(%dma_start3A_90 : memref<80x128xf32, #tpu.memory_space<vmem_shared>>) target_semaphore(%run_scoped3A : memref<!tpu.dma_semaphore, #tpu.memory_space<semaphore_mem>>)
      %dma_wait3A = arith.constant 0 : i32
      %dma_wait3A_91 = tpu.memref_slice %arg19[%add3A_43, %dma_wait3A] : memref<10240x128xf32, #tpu.memory_space<vmem_shared>> -> memref<80x128xf32, #tpu.memory_space<vmem_shared>>
      %dma_wait3A_92 = arith.constant 0 : i32
      %dma_wait3A_93 = tpu.memref_slice %arg19[%add3A_43, %dma_wait3A_92] : memref<10240x128xf32, #tpu.memory_space<vmem_shared>> -> memref<80x128xf32, #tpu.memory_space<vmem_shared>>
      tpu.wait_dma2 semaphore(%run_scoped3A : memref<!tpu.dma_semaphore, #tpu.memory_space<semaphore_mem>>) src(%arg13 : memref<80x128xf32, #tpu.memory_space<vmem>>) dst(%dma_wait3A_93 : memref<80x128xf32, #tpu.memory_space<vmem_shared>>)
      tpu.yield
    }) : () -> ()
    %mul3A_44 = arith.constant 640 : i32
    %mul3A_45 = arith.muli %arg1, %mul3A_44 : i32
    %add3A_46 = arith.constant 400 : i32
    %add3A_47 = arith.addi %mul3A_45, %add3A_46 : i32
    "tpu.region"() ({
      %run_scoped3A = tpu.sem_alloc : memref<!tpu.dma_semaphore, #tpu.memory_space<semaphore_mem>>
      %dma_start3A = arith.constant 0 : i32
      %dma_start3A_88 = tpu.memref_slice %arg19[%add3A_47, %dma_start3A] : memref<10240x128xf32, #tpu.memory_space<vmem_shared>> -> memref<80x128xf32, #tpu.memory_space<vmem_shared>>
      %dma_start3A_89 = arith.constant 0 : i32
      %dma_start3A_90 = tpu.memref_slice %arg19[%add3A_47, %dma_start3A_89] : memref<10240x128xf32, #tpu.memory_space<vmem_shared>> -> memref<80x128xf32, #tpu.memory_space<vmem_shared>>
      tpu.enqueue_dma source(%arg13 : memref<80x128xf32, #tpu.memory_space<vmem>>) target(%dma_start3A_90 : memref<80x128xf32, #tpu.memory_space<vmem_shared>>) target_semaphore(%run_scoped3A : memref<!tpu.dma_semaphore, #tpu.memory_space<semaphore_mem>>)
      %dma_wait3A = arith.constant 0 : i32
      %dma_wait3A_91 = tpu.memref_slice %arg19[%add3A_47, %dma_wait3A] : memref<10240x128xf32, #tpu.memory_space<vmem_shared>> -> memref<80x128xf32, #tpu.memory_space<vmem_shared>>
      %dma_wait3A_92 = arith.constant 0 : i32
      %dma_wait3A_93 = tpu.memref_slice %arg19[%add3A_47, %dma_wait3A_92] : memref<10240x128xf32, #tpu.memory_space<vmem_shared>> -> memref<80x128xf32, #tpu.memory_space<vmem_shared>>
      tpu.wait_dma2 semaphore(%run_scoped3A : memref<!tpu.dma_semaphore, #tpu.memory_space<semaphore_mem>>) src(%arg13 : memref<80x128xf32, #tpu.memory_space<vmem>>) dst(%dma_wait3A_93 : memref<80x128xf32, #tpu.memory_space<vmem_shared>>)
      tpu.yield
    }) : () -> ()
    %mul3A_48 = arith.constant 640 : i32
    %mul3A_49 = arith.muli %arg1, %mul3A_48 : i32
    %add3A_50 = arith.constant 480 : i32
    %add3A_51 = arith.addi %mul3A_49, %add3A_50 : i32
    "tpu.region"() ({
      %run_scoped3A = tpu.sem_alloc : memref<!tpu.dma_semaphore, #tpu.memory_space<semaphore_mem>>
      %dma_start3A = arith.constant 0 : i32
      %dma_start3A_88 = tpu.memref_slice %arg19[%add3A_51, %dma_start3A] : memref<10240x128xf32, #tpu.memory_space<vmem_shared>> -> memref<80x128xf32, #tpu.memory_space<vmem_shared>>
      %dma_start3A_89 = arith.constant 0 : i32
      %dma_start3A_90 = tpu.memref_slice %arg19[%add3A_51, %dma_start3A_89] : memref<10240x128xf32, #tpu.memory_space<vmem_shared>> -> memref<80x128xf32, #tpu.memory_space<vmem_shared>>
      tpu.enqueue_dma source(%arg13 : memref<80x128xf32, #tpu.memory_space<vmem>>) target(%dma_start3A_90 : memref<80x128xf32, #tpu.memory_space<vmem_shared>>) target_semaphore(%run_scoped3A : memref<!tpu.dma_semaphore, #tpu.memory_space<semaphore_mem>>)
      %dma_wait3A = arith.constant 0 : i32
      %dma_wait3A_91 = tpu.memref_slice %arg19[%add3A_51, %dma_wait3A] : memref<10240x128xf32, #tpu.memory_space<vmem_shared>> -> memref<80x128xf32, #tpu.memory_space<vmem_shared>>
      %dma_wait3A_92 = arith.constant 0 : i32
      %dma_wait3A_93 = tpu.memref_slice %arg19[%add3A_51, %dma_wait3A_92] : memref<10240x128xf32, #tpu.memory_space<vmem_shared>> -> memref<80x128xf32, #tpu.memory_space<vmem_shared>>
      tpu.wait_dma2 semaphore(%run_scoped3A : memref<!tpu.dma_semaphore, #tpu.memory_space<semaphore_mem>>) src(%arg13 : memref<80x128xf32, #tpu.memory_space<vmem>>) dst(%dma_wait3A_93 : memref<80x128xf32, #tpu.memory_space<vmem_shared>>)
      tpu.yield
    }) : () -> ()
    %mul3A_52 = arith.constant 640 : i32
    %mul3A_53 = arith.muli %arg1, %mul3A_52 : i32
    %add3A_54 = arith.constant 560 : i32
    %add3A_55 = arith.addi %mul3A_53, %add3A_54 : i32
    "tpu.region"() ({
      %run_scoped3A = tpu.sem_alloc : memref<!tpu.dma_semaphore, #tpu.memory_space<semaphore_mem>>
      %dma_start3A = arith.constant 0 : i32
      %dma_start3A_88 = tpu.memref_slice %arg19[%add3A_55, %dma_start3A] : memref<10240x128xf32, #tpu.memory_space<vmem_shared>> -> memref<80x128xf32, #tpu.memory_space<vmem_shared>>
      %dma_start3A_89 = arith.constant 0 : i32
      %dma_start3A_90 = tpu.memref_slice %arg19[%add3A_55, %dma_start3A_89] : memref<10240x128xf32, #tpu.memory_space<vmem_shared>> -> memref<80x128xf32, #tpu.memory_space<vmem_shared>>
      tpu.enqueue_dma source(%arg13 : memref<80x128xf32, #tpu.memory_space<vmem>>) target(%dma_start3A_90 : memref<80x128xf32, #tpu.memory_space<vmem_shared>>) target_semaphore(%run_scoped3A : memref<!tpu.dma_semaphore, #tpu.memory_space<semaphore_mem>>)
      %dma_wait3A = arith.constant 0 : i32
      %dma_wait3A_91 = tpu.memref_slice %arg19[%add3A_55, %dma_wait3A] : memref<10240x128xf32, #tpu.memory_space<vmem_shared>> -> memref<80x128xf32, #tpu.memory_space<vmem_shared>>
      %dma_wait3A_92 = arith.constant 0 : i32
      %dma_wait3A_93 = tpu.memref_slice %arg19[%add3A_55, %dma_wait3A_92] : memref<10240x128xf32, #tpu.memory_space<vmem_shared>> -> memref<80x128xf32, #tpu.memory_space<vmem_shared>>
      tpu.wait_dma2 semaphore(%run_scoped3A : memref<!tpu.dma_semaphore, #tpu.memory_space<semaphore_mem>>) src(%arg13 : memref<80x128xf32, #tpu.memory_space<vmem>>) dst(%dma_wait3A_93 : memref<80x128xf32, #tpu.memory_space<vmem_shared>>)
      tpu.yield
    }) : () -> ()
    %barrier3A = arith.constant 0 : index
    tpu.barrier barrier_id(%barrier3A)
    %scan3A_56 = arith.constant 0 : i32
    %scan3A_57 = arith.constant 0 : i32
    %scan3A_58 = arith.constant 5 : i32
    %scan3A_59 = arith.addi %scan3A_57, %scan3A_58 : i32
    %scan3A_60 = arith.constant 1 : i32
    %scan3A_61 = scf.for %scan3A_88 = %scan3A_57 to %scan3A_59 step %scan3A_60 iter_args(%scan3A_89 = %scan3A_56) -> (i32)  : i32 {
      "tpu.region"() ({
        %run_scoped3A = tpu.sem_alloc : memref<!tpu.dma_semaphore, #tpu.memory_space<semaphore_mem>>
        %dma_start3A = arith.constant 0 : i32
        %dma_start3A_98 = arith.constant 0 : i32
        %dma_start3A_99 = tpu.memref_slice %arg4[%arg0, %arg1, %scan3A_88, %dma_start3A, %dma_start3A_98] : memref<2x16x5x25x80xi32, #tpu.memory_space<hbm>> -> memref<1x1x1x25x80xi32, #tpu.memory_space<hbm>>
        %dma_start3A_100 = tpu.memref_squeeze %dma_start3A_99 : memref<1x1x1x25x80xi32, #tpu.memory_space<hbm>> -> memref<25x80xi32, #tpu.memory_space<hbm>>
        %dma_start3A_101 = arith.constant 0 : i32
        %dma_start3A_102 = arith.constant 0 : i32
        %dma_start3A_103 = tpu.memref_slice %arg4[%arg0, %arg1, %scan3A_88, %dma_start3A_101, %dma_start3A_102] : memref<2x16x5x25x80xi32, #tpu.memory_space<hbm>> -> memref<1x1x1x25x80xi32, #tpu.memory_space<hbm>>
        %dma_start3A_104 = tpu.memref_squeeze %dma_start3A_103 : memref<1x1x1x25x80xi32, #tpu.memory_space<hbm>> -> memref<25x80xi32, #tpu.memory_space<hbm>>
        tpu.enqueue_dma source(%dma_start3A_104 : memref<25x80xi32, #tpu.memory_space<hbm>>) target(%arg8 : memref<25x80xi32, #tpu.memory_space<vmem>>) target_semaphore(%run_scoped3A : memref<!tpu.dma_semaphore, #tpu.memory_space<semaphore_mem>>)
        %dma_wait3A = arith.constant 0 : i32
        %dma_wait3A_105 = arith.constant 0 : i32
        %dma_wait3A_106 = tpu.memref_slice %arg4[%arg0, %arg1, %scan3A_88, %dma_wait3A, %dma_wait3A_105] : memref<2x16x5x25x80xi32, #tpu.memory_space<hbm>> -> memref<1x1x1x25x80xi32, #tpu.memory_space<hbm>>
        %dma_wait3A_107 = tpu.memref_squeeze %dma_wait3A_106 : memref<1x1x1x25x80xi32, #tpu.memory_space<hbm>> -> memref<25x80xi32, #tpu.memory_space<hbm>>
        %dma_wait3A_108 = arith.constant 0 : i32
        %dma_wait3A_109 = arith.constant 0 : i32
        %dma_wait3A_110 = tpu.memref_slice %arg4[%arg0, %arg1, %scan3A_88, %dma_wait3A_108, %dma_wait3A_109] : memref<2x16x5x25x80xi32, #tpu.memory_space<hbm>> -> memref<1x1x1x25x80xi32, #tpu.memory_space<hbm>>
        %dma_wait3A_111 = tpu.memref_squeeze %dma_wait3A_110 : memref<1x1x1x25x80xi32, #tpu.memory_space<hbm>> -> memref<25x80xi32, #tpu.memory_space<hbm>>
        tpu.wait_dma2 semaphore(%run_scoped3A : memref<!tpu.dma_semaphore, #tpu.memory_space<semaphore_mem>>) src(%dma_wait3A_111 : memref<25x80xi32, #tpu.memory_space<hbm>>) dst(%arg8 : memref<25x80xi32, #tpu.memory_space<vmem>>)
        tpu.yield
      }) : () -> ()
      %scan3A_90 = arith.constant 0 : i32
      %scan3A_91 = arith.constant 0 : i32
      %scan3A_92 = arith.constant 25 : i32
      %scan3A_93 = arith.addi %scan3A_91, %scan3A_92 : i32
      %scan3A_94 = arith.constant 1 : i32
      %scan3A_95 = scf.for %scan3A_98 = %scan3A_91 to %scan3A_93 step %scan3A_94 iter_args(%scan3A_99 = %scan3A_90) -> (i32)  : i32 {
        "tpu.region"() ({
          %run_scoped3A = tpu.sem_alloc : memref<!tpu.dma_semaphore, #tpu.memory_space<semaphore_mem>>
          %dma_start3A = arith.constant 0 : i32
          %dma_start3A_101 = tpu.memref_slice %arg15[%dma_start3A] : memref<112xf32, #tpu.memory_space<vmem>> -> memref<80xf32, #tpu.memory_space<vmem>>
          %dma_start3A_102 = arith.constant 0 : i32
          %dma_start3A_103 = tpu.memref_slice %arg8[%scan3A_98, %dma_start3A_102] : memref<25x80xi32, #tpu.memory_space<vmem>> -> memref<1x80xi32, #tpu.memory_space<vmem>>
          %dma_start3A_104 = tpu.memref_squeeze %dma_start3A_103 : memref<1x80xi32, #tpu.memory_space<vmem>> -> memref<80xi32, #tpu.memory_space<vmem>>
          %dma_start3A_105 = arith.constant 0 : i32
          %dma_start3A_106 = tpu.memref_slice %arg18[%dma_start3A_105] : memref<10240xf32, #tpu.memory_space<vmem_shared>> -> memref<10240xf32, #tpu.memory_space<vmem_shared>>
          tpu.enqueue_indirect_dma source(%dma_start3A_101 : memref<80xf32, #tpu.memory_space<vmem>>) target(%dma_start3A_106 : memref<10240xf32, #tpu.memory_space<vmem_shared>>) offsets(%dma_start3A_104 : memref<80xi32, #tpu.memory_space<vmem>>) semaphore(%run_scoped3A : memref<!tpu.dma_semaphore, #tpu.memory_space<semaphore_mem>>) {add = true}
          %dma_wait3A = arith.constant 0 : i32
          %dma_wait3A_107 = tpu.memref_slice %arg15[%dma_wait3A] : memref<112xf32, #tpu.memory_space<vmem>> -> memref<80xf32, #tpu.memory_space<vmem>>
          %dma_wait3A_108 = arith.constant 0 : i32
          %dma_wait3A_109 = tpu.memref_slice %arg8[%scan3A_98, %dma_wait3A_108] : memref<25x80xi32, #tpu.memory_space<vmem>> -> memref<1x80xi32, #tpu.memory_space<vmem>>
          %dma_wait3A_110 = tpu.memref_squeeze %dma_wait3A_109 : memref<1x80xi32, #tpu.memory_space<vmem>> -> memref<80xi32, #tpu.memory_space<vmem>>
          %dma_wait3A_111 = arith.constant 0 : i32
          %dma_wait3A_112 = tpu.memref_slice %arg18[%dma_wait3A_111] : memref<10240xf32, #tpu.memory_space<vmem_shared>> -> memref<10240xf32, #tpu.memory_space<vmem_shared>>
          tpu.wait_indirect_dma semaphore(%run_scoped3A : memref<!tpu.dma_semaphore, #tpu.memory_space<semaphore_mem>>) src(%dma_wait3A_107 : memref<80xf32, #tpu.memory_space<vmem>>) dst(%dma_wait3A_112 : memref<10240xf32, #tpu.memory_space<vmem_shared>>)
          tpu.yield
        }) : () -> ()
        %scan3A_100 = arith.constant 0 : i32
        scf.yield %scan3A_100 : i32
      }
      %scan3A_96 = arith.constant 25 : i32
      %scan3A_97 = arith.constant 0 : i32
      scf.yield %scan3A_97 : i32
    }
    %scan3A_62 = arith.constant 5 : i32
    %barrier3A_63 = arith.constant 0 : index
    tpu.barrier barrier_id(%barrier3A_63)
    %mul3A_64 = arith.constant 640 : i32
    %mul3A_65 = arith.muli %arg1, %mul3A_64 : i32
    "tpu.region"() ({
      %run_scoped3A = tpu.sem_alloc : memref<!tpu.dma_semaphore, #tpu.memory_space<semaphore_mem>>
      %dma_start3A = arith.constant 0 : i32
      %dma_start3A_88 = tpu.memref_slice %arg12[%dma_start3A] : memref<10240xf32, #tpu.memory_space<vmem>> -> memref<640xf32, #tpu.memory_space<vmem>>
      %dma_start3A_89 = tpu.memref_slice %arg18[%mul3A_65] : memref<10240xf32, #tpu.memory_space<vmem_shared>> -> memref<640xf32, #tpu.memory_space<vmem_shared>>
      %dma_start3A_90 = arith.constant 0 : i32
      %dma_start3A_91 = tpu.memref_slice %arg12[%dma_start3A_90] : memref<10240xf32, #tpu.memory_space<vmem>> -> memref<640xf32, #tpu.memory_space<vmem>>
      %dma_start3A_92 = tpu.memref_slice %arg18[%mul3A_65] : memref<10240xf32, #tpu.memory_space<vmem_shared>> -> memref<640xf32, #tpu.memory_space<vmem_shared>>
      tpu.enqueue_dma source(%dma_start3A_92 : memref<640xf32, #tpu.memory_space<vmem_shared>>) target(%dma_start3A_91 : memref<640xf32, #tpu.memory_space<vmem>>) target_semaphore(%run_scoped3A : memref<!tpu.dma_semaphore, #tpu.memory_space<semaphore_mem>>)
      %dma_wait3A = arith.constant 0 : i32
      %dma_wait3A_93 = tpu.memref_slice %arg12[%dma_wait3A] : memref<10240xf32, #tpu.memory_space<vmem>> -> memref<640xf32, #tpu.memory_space<vmem>>
      %dma_wait3A_94 = tpu.memref_slice %arg18[%mul3A_65] : memref<10240xf32, #tpu.memory_space<vmem_shared>> -> memref<640xf32, #tpu.memory_space<vmem_shared>>
      %dma_wait3A_95 = arith.constant 0 : i32
      %dma_wait3A_96 = tpu.memref_slice %arg12[%dma_wait3A_95] : memref<10240xf32, #tpu.memory_space<vmem>> -> memref<640xf32, #tpu.memory_space<vmem>>
      %dma_wait3A_97 = tpu.memref_slice %arg18[%mul3A_65] : memref<10240xf32, #tpu.memory_space<vmem_shared>> -> memref<640xf32, #tpu.memory_space<vmem_shared>>
      tpu.wait_dma2 semaphore(%run_scoped3A : memref<!tpu.dma_semaphore, #tpu.memory_space<semaphore_mem>>) src(%dma_wait3A_97 : memref<640xf32, #tpu.memory_space<vmem_shared>>) dst(%dma_wait3A_96 : memref<640xf32, #tpu.memory_space<vmem>>)
      tpu.yield
    }) : () -> ()
    %scan3A_66 = arith.constant 0 : i32
    %scan3A_67 = arith.constant 0 : i32
    %scan3A_68 = arith.constant 40 : i32
    %scan3A_69 = arith.addi %scan3A_67, %scan3A_68 : i32
    %scan3A_70 = arith.constant 1 : i32
    %scan3A_71 = scf.for %scan3A_88 = %scan3A_67 to %scan3A_69 step %scan3A_70 iter_args(%scan3A_89 = %scan3A_66) -> (i32)  : i32 {
      %mul3A_90 = arith.constant 16 : i32
      %mul3A_91 = arith.muli %scan3A_88, %mul3A_90 : i32
      %get3A = arith.index_cast %mul3A_91 : i32 to index
      %get3A_92 = tpu.vector_load %arg12[%get3A] {strides = array<i32>} : memref<10240xf32, #tpu.memory_space<vmem>>, vector<16xf32>,
      %add3A_93 = arith.constant 1.000000e+00 : f32
      %add3A_94 = vector.broadcast %add3A_93 : f32 to vector<16xf32>
      %add3A_95 = arith.addf %get3A_92, %add3A_94 : vector<16xf32>
      %mul3A_96 = arith.constant 5.000000e-01 : f32
      %mul3A_97 = vector.broadcast %mul3A_96 : f32 to vector<16xf32>
      %mul3A_98 = arith.mulf %add3A_95, %mul3A_97 : vector<16xf32>
      %div3A = arith.divf %get3A_92, %mul3A_98 : vector<16xf32>
      %add3A_99 = arith.addf %mul3A_98, %div3A : vector<16xf32>
      %mul3A_100 = arith.constant 5.000000e-01 : f32
      %mul3A_101 = vector.broadcast %mul3A_100 : f32 to vector<16xf32>
      %mul3A_102 = arith.mulf %add3A_99, %mul3A_101 : vector<16xf32>
      %div3A_103 = arith.divf %get3A_92, %mul3A_102 : vector<16xf32>
      %add3A_104 = arith.addf %mul3A_102, %div3A_103 : vector<16xf32>
      %mul3A_105 = arith.constant 5.000000e-01 : f32
      %mul3A_106 = vector.broadcast %mul3A_105 : f32 to vector<16xf32>
      %mul3A_107 = arith.mulf %add3A_104, %mul3A_106 : vector<16xf32>
      %div3A_108 = arith.divf %get3A_92, %mul3A_107 : vector<16xf32>
      %add3A_109 = arith.addf %mul3A_107, %div3A_108 : vector<16xf32>
      %mul3A_110 = arith.constant 5.000000e-01 : f32
      %mul3A_111 = vector.broadcast %mul3A_110 : f32 to vector<16xf32>
      %mul3A_112 = arith.mulf %add3A_109, %mul3A_111 : vector<16xf32>
      %div3A_113 = arith.divf %get3A_92, %mul3A_112 : vector<16xf32>
      %add3A_114 = arith.addf %mul3A_112, %div3A_113 : vector<16xf32>
      %mul3A_115 = arith.constant 5.000000e-01 : f32
      %mul3A_116 = vector.broadcast %mul3A_115 : f32 to vector<16xf32>
      %mul3A_117 = arith.mulf %add3A_114, %mul3A_116 : vector<16xf32>
      %div3A_118 = arith.divf %get3A_92, %mul3A_117 : vector<16xf32>
      %add3A_119 = arith.addf %mul3A_117, %div3A_118 : vector<16xf32>
      %mul3A_120 = arith.constant 5.000000e-01 : f32
      %mul3A_121 = vector.broadcast %mul3A_120 : f32 to vector<16xf32>
      %mul3A_122 = arith.mulf %add3A_119, %mul3A_121 : vector<16xf32>
      %div3A_123 = arith.divf %get3A_92, %mul3A_122 : vector<16xf32>
      %add3A_124 = arith.addf %mul3A_122, %div3A_123 : vector<16xf32>
      %mul3A_125 = arith.constant 5.000000e-01 : f32
      %mul3A_126 = vector.broadcast %mul3A_125 : f32 to vector<16xf32>
      %mul3A_127 = arith.mulf %add3A_124, %mul3A_126 : vector<16xf32>
      %div3A_128 = arith.divf %get3A_92, %mul3A_127 : vector<16xf32>
      %add3A_129 = arith.addf %mul3A_127, %div3A_128 : vector<16xf32>
      %mul3A_130 = arith.constant 5.000000e-01 : f32
      %mul3A_131 = vector.broadcast %mul3A_130 : f32 to vector<16xf32>
      %mul3A_132 = arith.mulf %add3A_129, %mul3A_131 : vector<16xf32>
      %div3A_133 = arith.divf %get3A_92, %mul3A_132 : vector<16xf32>
      %add3A_134 = arith.addf %mul3A_132, %div3A_133 : vector<16xf32>
      %mul3A_135 = arith.constant 5.000000e-01 : f32
      %mul3A_136 = vector.broadcast %mul3A_135 : f32 to vector<16xf32>
      %mul3A_137 = arith.mulf %add3A_134, %mul3A_136 : vector<16xf32>
      %div3A_138 = arith.divf %get3A_92, %mul3A_137 : vector<16xf32>
      %add3A_139 = arith.addf %mul3A_137, %div3A_138 : vector<16xf32>
      %mul3A_140 = arith.constant 5.000000e-01 : f32
      %mul3A_141 = vector.broadcast %mul3A_140 : f32 to vector<16xf32>
      %mul3A_142 = arith.mulf %add3A_139, %mul3A_141 : vector<16xf32>
      %div3A_143 = arith.divf %get3A_92, %mul3A_142 : vector<16xf32>
      %add3A_144 = arith.addf %mul3A_142, %div3A_143 : vector<16xf32>
      %mul3A_145 = arith.constant 5.000000e-01 : f32
      %mul3A_146 = vector.broadcast %mul3A_145 : f32 to vector<16xf32>
      %mul3A_147 = arith.mulf %add3A_144, %mul3A_146 : vector<16xf32>
      %div3A_148 = arith.divf %get3A_92, %mul3A_147 : vector<16xf32>
      %add3A_149 = arith.addf %mul3A_147, %div3A_148 : vector<16xf32>
      %mul3A_150 = arith.constant 5.000000e-01 : f32
      %mul3A_151 = vector.broadcast %mul3A_150 : f32 to vector<16xf32>
      %mul3A_152 = arith.mulf %add3A_149, %mul3A_151 : vector<16xf32>
      %div3A_153 = arith.divf %get3A_92, %mul3A_152 : vector<16xf32>
      %add3A_154 = arith.addf %mul3A_152, %div3A_153 : vector<16xf32>
      %mul3A_155 = arith.constant 5.000000e-01 : f32
      %mul3A_156 = vector.broadcast %mul3A_155 : f32 to vector<16xf32>
      %mul3A_157 = arith.mulf %add3A_154, %mul3A_156 : vector<16xf32>
      %div3A_158 = arith.divf %get3A_92, %mul3A_157 : vector<16xf32>
      %add3A_159 = arith.addf %mul3A_157, %div3A_158 : vector<16xf32>
      %mul3A_160 = arith.constant 5.000000e-01 : f32
      %mul3A_161 = vector.broadcast %mul3A_160 : f32 to vector<16xf32>
      %mul3A_162 = arith.mulf %add3A_159, %mul3A_161 : vector<16xf32>
      %div3A_163 = arith.divf %get3A_92, %mul3A_162 : vector<16xf32>
      %add3A_164 = arith.addf %mul3A_162, %div3A_163 : vector<16xf32>
      %mul3A_165 = arith.constant 5.000000e-01 : f32
      %mul3A_166 = vector.broadcast %mul3A_165 : f32 to vector<16xf32>
      %mul3A_167 = arith.mulf %add3A_164, %mul3A_166 : vector<16xf32>
      %div3A_168 = arith.divf %get3A_92, %mul3A_167 : vector<16xf32>
      %add3A_169 = arith.addf %mul3A_167, %div3A_168 : vector<16xf32>
      %mul3A_170 = arith.constant 5.000000e-01 : f32
      %mul3A_171 = vector.broadcast %mul3A_170 : f32 to vector<16xf32>
      %mul3A_172 = arith.mulf %add3A_169, %mul3A_171 : vector<16xf32>
      %div3A_173 = arith.divf %get3A_92, %mul3A_172 : vector<16xf32>
      %add3A_174 = arith.addf %mul3A_172, %div3A_173 : vector<16xf32>
      %mul3A_175 = arith.constant 5.000000e-01 : f32
      %mul3A_176 = vector.broadcast %mul3A_175 : f32 to vector<16xf32>
      %mul3A_177 = arith.mulf %add3A_174, %mul3A_176 : vector<16xf32>
      %div3A_178 = arith.divf %get3A_92, %mul3A_177 : vector<16xf32>
      %add3A_179 = arith.addf %mul3A_177, %div3A_178 : vector<16xf32>
      %mul3A_180 = arith.constant 5.000000e-01 : f32
      %mul3A_181 = vector.broadcast %mul3A_180 : f32 to vector<16xf32>
      %mul3A_182 = arith.mulf %add3A_179, %mul3A_181 : vector<16xf32>
      %div3A_183 = arith.divf %get3A_92, %mul3A_182 : vector<16xf32>
      %add3A_184 = arith.addf %mul3A_182, %div3A_183 : vector<16xf32>
      %mul3A_185 = arith.constant 5.000000e-01 : f32
      %mul3A_186 = vector.broadcast %mul3A_185 : f32 to vector<16xf32>
      %mul3A_187 = arith.mulf %add3A_184, %mul3A_186 : vector<16xf32>
      %div3A_188 = arith.divf %get3A_92, %mul3A_187 : vector<16xf32>
      %add3A_189 = arith.addf %mul3A_187, %div3A_188 : vector<16xf32>
      %mul3A_190 = arith.constant 5.000000e-01 : f32
      %mul3A_191 = vector.broadcast %mul3A_190 : f32 to vector<16xf32>
      %mul3A_192 = arith.mulf %add3A_189, %mul3A_191 : vector<16xf32>
      %div3A_193 = arith.divf %get3A_92, %mul3A_192 : vector<16xf32>
      %add3A_194 = arith.addf %mul3A_192, %div3A_193 : vector<16xf32>
      %mul3A_195 = arith.constant 5.000000e-01 : f32
      %mul3A_196 = vector.broadcast %mul3A_195 : f32 to vector<16xf32>
      %mul3A_197 = arith.mulf %add3A_194, %mul3A_196 : vector<16xf32>
      %div3A_198 = arith.divf %get3A_92, %mul3A_197 : vector<16xf32>
      %add3A_199 = arith.addf %mul3A_197, %div3A_198 : vector<16xf32>
      %mul3A_200 = arith.constant 5.000000e-01 : f32
      %mul3A_201 = vector.broadcast %mul3A_200 : f32 to vector<16xf32>
      %mul3A_202 = arith.mulf %add3A_199, %mul3A_201 : vector<16xf32>
      %div3A_203 = arith.divf %get3A_92, %mul3A_202 : vector<16xf32>
      %add3A_204 = arith.addf %mul3A_202, %div3A_203 : vector<16xf32>
      %mul3A_205 = arith.constant 5.000000e-01 : f32
      %mul3A_206 = vector.broadcast %mul3A_205 : f32 to vector<16xf32>
      %mul3A_207 = arith.mulf %add3A_204, %mul3A_206 : vector<16xf32>
      %gt3A = arith.constant 0.000000e+00 : f32
      %gt3A_208 = vector.broadcast %gt3A : f32 to vector<16xf32>
      %gt3A_209 = arith.cmpf ogt, %get3A_92, %gt3A_208 : vector<16xf32>
      %div3A_210 = arith.constant 1.000000e+00 : f32
      %div3A_211 = vector.broadcast %div3A_210 : f32 to vector<16xf32>
      %div3A_212 = arith.divf %div3A_211, %mul3A_207 : vector<16xf32>
      %jit3A = arith.constant 0.000000e+00 : f32
      %broadcast_in_dim3A = vector.broadcast %jit3A : f32 to vector<16xf32>
      %select_n3A = arith.select %gt3A_209, %div3A_212, %broadcast_in_dim3A : vector<16xi1>, vector<16xf32>
      %swap3A = arith.index_cast %mul3A_91 : i32 to index
      %swap3A_213 = tpu.vector_load %arg12[%swap3A] {strides = array<i32>} : memref<10240xf32, #tpu.memory_space<vmem>>, vector<16xf32>,
      tpu.vector_store %arg12[%swap3A], %select_n3A {strides = array<i32>} : memref<10240xf32, #tpu.memory_space<vmem>>, vector<16xf32>,
      %scan3A_214 = arith.constant 0 : i32
      scf.yield %scan3A_214 : i32
    }
    %scan3A_72 = arith.constant 40 : i32
    %mul3A_73 = arith.constant 640 : i32
    %mul3A_74 = arith.muli %arg1, %mul3A_73 : i32
    "tpu.region"() ({
      %run_scoped3A = tpu.sem_alloc : memref<!tpu.dma_semaphore, #tpu.memory_space<semaphore_mem>>
      %dma_start3A = arith.constant 0 : i32
      %dma_start3A_88 = tpu.memref_slice %arg12[%dma_start3A] : memref<10240xf32, #tpu.memory_space<vmem>> -> memref<640xf32, #tpu.memory_space<vmem>>
      %dma_start3A_89 = tpu.memref_slice %arg18[%mul3A_74] : memref<10240xf32, #tpu.memory_space<vmem_shared>> -> memref<640xf32, #tpu.memory_space<vmem_shared>>
      %dma_start3A_90 = tpu.memref_slice %arg18[%mul3A_74] : memref<10240xf32, #tpu.memory_space<vmem_shared>> -> memref<640xf32, #tpu.memory_space<vmem_shared>>
      %dma_start3A_91 = arith.constant 0 : i32
      %dma_start3A_92 = tpu.memref_slice %arg12[%dma_start3A_91] : memref<10240xf32, #tpu.memory_space<vmem>> -> memref<640xf32, #tpu.memory_space<vmem>>
      tpu.enqueue_dma source(%dma_start3A_92 : memref<640xf32, #tpu.memory_space<vmem>>) target(%dma_start3A_90 : memref<640xf32, #tpu.memory_space<vmem_shared>>) target_semaphore(%run_scoped3A : memref<!tpu.dma_semaphore, #tpu.memory_space<semaphore_mem>>)
      %dma_wait3A = arith.constant 0 : i32
      %dma_wait3A_93 = tpu.memref_slice %arg12[%dma_wait3A] : memref<10240xf32, #tpu.memory_space<vmem>> -> memref<640xf32, #tpu.memory_space<vmem>>
      %dma_wait3A_94 = tpu.memref_slice %arg18[%mul3A_74] : memref<10240xf32, #tpu.memory_space<vmem_shared>> -> memref<640xf32, #tpu.memory_space<vmem_shared>>
      %dma_wait3A_95 = tpu.memref_slice %arg18[%mul3A_74] : memref<10240xf32, #tpu.memory_space<vmem_shared>> -> memref<640xf32, #tpu.memory_space<vmem_shared>>
      %dma_wait3A_96 = arith.constant 0 : i32
      %dma_wait3A_97 = tpu.memref_slice %arg12[%dma_wait3A_96] : memref<10240xf32, #tpu.memory_space<vmem>> -> memref<640xf32, #tpu.memory_space<vmem>>
      tpu.wait_dma2 semaphore(%run_scoped3A : memref<!tpu.dma_semaphore, #tpu.memory_space<semaphore_mem>>) src(%dma_wait3A_97 : memref<640xf32, #tpu.memory_space<vmem>>) dst(%dma_wait3A_95 : memref<640xf32, #tpu.memory_space<vmem_shared>>)
      tpu.yield
    }) : () -> ()
    %barrier3A_75 = arith.constant 0 : index
    tpu.barrier barrier_id(%barrier3A_75)
    "tpu.region"() ({
      %run_scoped3A = tpu.sem_alloc : memref<!tpu.dma_semaphore, #tpu.memory_space<semaphore_mem>>
      tpu.enqueue_dma source(%arg18 : memref<10240xf32, #tpu.memory_space<vmem_shared>>) target(%arg12 : memref<10240xf32, #tpu.memory_space<vmem>>) target_semaphore(%run_scoped3A : memref<!tpu.dma_semaphore, #tpu.memory_space<semaphore_mem>>)
      tpu.wait_dma2 semaphore(%run_scoped3A : memref<!tpu.dma_semaphore, #tpu.memory_space<semaphore_mem>>) src(%arg18 : memref<10240xf32, #tpu.memory_space<vmem_shared>>) dst(%arg12 : memref<10240xf32, #tpu.memory_space<vmem>>)
      tpu.yield
    }) : () -> ()
    %scan3A_76 = arith.constant 0 : i32
    %scan3A_77 = arith.constant 0 : i32
    %scan3A_78 = arith.constant 5 : i32
    %scan3A_79 = arith.addi %scan3A_77, %scan3A_78 : i32
    %scan3A_80 = arith.constant 1 : i32
    %scan3A_81 = scf.for %scan3A_88 = %scan3A_77 to %scan3A_79 step %scan3A_80 iter_args(%scan3A_89 = %scan3A_76) -> (i32)  : i32 {
      "tpu.region"() ({
        %run_scoped3A = tpu.sem_alloc : memref<!tpu.dma_semaphore, #tpu.memory_space<semaphore_mem>>
        %dma_start3A = arith.constant 0 : i32
        %dma_start3A_105 = arith.constant 0 : i32
        %dma_start3A_106 = tpu.memref_slice %arg4[%arg0, %arg1, %scan3A_88, %dma_start3A, %dma_start3A_105] : memref<2x16x5x25x80xi32, #tpu.memory_space<hbm>> -> memref<1x1x1x25x80xi32, #tpu.memory_space<hbm>>
        %dma_start3A_107 = tpu.memref_squeeze %dma_start3A_106 : memref<1x1x1x25x80xi32, #tpu.memory_space<hbm>> -> memref<25x80xi32, #tpu.memory_space<hbm>>
        %dma_start3A_108 = arith.constant 0 : i32
        %dma_start3A_109 = arith.constant 0 : i32
        %dma_start3A_110 = tpu.memref_slice %arg4[%arg0, %arg1, %scan3A_88, %dma_start3A_108, %dma_start3A_109] : memref<2x16x5x25x80xi32, #tpu.memory_space<hbm>> -> memref<1x1x1x25x80xi32, #tpu.memory_space<hbm>>
        %dma_start3A_111 = tpu.memref_squeeze %dma_start3A_110 : memref<1x1x1x25x80xi32, #tpu.memory_space<hbm>> -> memref<25x80xi32, #tpu.memory_space<hbm>>
        tpu.enqueue_dma source(%dma_start3A_111 : memref<25x80xi32, #tpu.memory_space<hbm>>) target(%arg8 : memref<25x80xi32, #tpu.memory_space<vmem>>) target_semaphore(%run_scoped3A : memref<!tpu.dma_semaphore, #tpu.memory_space<semaphore_mem>>)
        %dma_wait3A = arith.constant 0 : i32
        %dma_wait3A_112 = arith.constant 0 : i32
        %dma_wait3A_113 = tpu.memref_slice %arg4[%arg0, %arg1, %scan3A_88, %dma_wait3A, %dma_wait3A_112] : memref<2x16x5x25x80xi32, #tpu.memory_space<hbm>> -> memref<1x1x1x25x80xi32, #tpu.memory_space<hbm>>
        %dma_wait3A_114 = tpu.memref_squeeze %dma_wait3A_113 : memref<1x1x1x25x80xi32, #tpu.memory_space<hbm>> -> memref<25x80xi32, #tpu.memory_space<hbm>>
        %dma_wait3A_115 = arith.constant 0 : i32
        %dma_wait3A_116 = arith.constant 0 : i32
        %dma_wait3A_117 = tpu.memref_slice %arg4[%arg0, %arg1, %scan3A_88, %dma_wait3A_115, %dma_wait3A_116] : memref<2x16x5x25x80xi32, #tpu.memory_space<hbm>> -> memref<1x1x1x25x80xi32, #tpu.memory_space<hbm>>
        %dma_wait3A_118 = tpu.memref_squeeze %dma_wait3A_117 : memref<1x1x1x25x80xi32, #tpu.memory_space<hbm>> -> memref<25x80xi32, #tpu.memory_space<hbm>>
        tpu.wait_dma2 semaphore(%run_scoped3A : memref<!tpu.dma_semaphore, #tpu.memory_space<semaphore_mem>>) src(%dma_wait3A_118 : memref<25x80xi32, #tpu.memory_space<hbm>>) dst(%arg8 : memref<25x80xi32, #tpu.memory_space<vmem>>)
        tpu.yield
      }) : () -> ()
      "tpu.region"() ({
        %run_scoped3A = tpu.sem_alloc : memref<!tpu.dma_semaphore, #tpu.memory_space<semaphore_mem>>
        %dma_start3A = arith.constant 0 : i32
        %dma_start3A_105 = tpu.memref_slice %arg5[%arg0, %arg1, %scan3A_88, %dma_start3A] : memref<2x16x5x2000xi32, #tpu.memory_space<hbm>> -> memref<1x1x1x2000xi32, #tpu.memory_space<hbm>>
        %dma_start3A_106 = tpu.memref_squeeze %dma_start3A_105 : memref<1x1x1x2000xi32, #tpu.memory_space<hbm>> -> memref<2000xi32, #tpu.memory_space<hbm>>
        %dma_start3A_107 = arith.constant 0 : i32
        %dma_start3A_108 = tpu.memref_slice %arg5[%arg0, %arg1, %scan3A_88, %dma_start3A_107] : memref<2x16x5x2000xi32, #tpu.memory_space<hbm>> -> memref<1x1x1x2000xi32, #tpu.memory_space<hbm>>
        %dma_start3A_109 = tpu.memref_squeeze %dma_start3A_108 : memref<1x1x1x2000xi32, #tpu.memory_space<hbm>> -> memref<2000xi32, #tpu.memory_space<hbm>>
        tpu.enqueue_dma source(%dma_start3A_109 : memref<2000xi32, #tpu.memory_space<hbm>>) target(%arg9 : memref<2000xi32, #tpu.memory_space<vmem>>) target_semaphore(%run_scoped3A : memref<!tpu.dma_semaphore, #tpu.memory_space<semaphore_mem>>)
        %dma_wait3A = arith.constant 0 : i32
        %dma_wait3A_110 = tpu.memref_slice %arg5[%arg0, %arg1, %scan3A_88, %dma_wait3A] : memref<2x16x5x2000xi32, #tpu.memory_space<hbm>> -> memref<1x1x1x2000xi32, #tpu.memory_space<hbm>>
        %dma_wait3A_111 = tpu.memref_squeeze %dma_wait3A_110 : memref<1x1x1x2000xi32, #tpu.memory_space<hbm>> -> memref<2000xi32, #tpu.memory_space<hbm>>
        %dma_wait3A_112 = arith.constant 0 : i32
        %dma_wait3A_113 = tpu.memref_slice %arg5[%arg0, %arg1, %scan3A_88, %dma_wait3A_112] : memref<2x16x5x2000xi32, #tpu.memory_space<hbm>> -> memref<1x1x1x2000xi32, #tpu.memory_space<hbm>>
        %dma_wait3A_114 = tpu.memref_squeeze %dma_wait3A_113 : memref<1x1x1x2000xi32, #tpu.memory_space<hbm>> -> memref<2000xi32, #tpu.memory_space<hbm>>
        tpu.wait_dma2 semaphore(%run_scoped3A : memref<!tpu.dma_semaphore, #tpu.memory_space<semaphore_mem>>) src(%dma_wait3A_114 : memref<2000xi32, #tpu.memory_space<hbm>>) dst(%arg9 : memref<2000xi32, #tpu.memory_space<vmem>>)
        tpu.yield
      }) : () -> ()
      "tpu.region"() ({
        %run_scoped3A = tpu.sem_alloc : memref<!tpu.dma_semaphore, #tpu.memory_space<semaphore_mem>>
        %dma_start3A = arith.constant 0 : i32
        %dma_start3A_105 = tpu.memref_slice %arg6[%arg0, %arg1, %scan3A_88, %dma_start3A] : memref<2x16x5x2000xi32, #tpu.memory_space<hbm>> -> memref<1x1x1x2000xi32, #tpu.memory_space<hbm>>
        %dma_start3A_106 = tpu.memref_squeeze %dma_start3A_105 : memref<1x1x1x2000xi32, #tpu.memory_space<hbm>> -> memref<2000xi32, #tpu.memory_space<hbm>>
        %dma_start3A_107 = arith.constant 0 : i32
        %dma_start3A_108 = tpu.memref_slice %arg6[%arg0, %arg1, %scan3A_88, %dma_start3A_107] : memref<2x16x5x2000xi32, #tpu.memory_space<hbm>> -> memref<1x1x1x2000xi32, #tpu.memory_space<hbm>>
        %dma_start3A_109 = tpu.memref_squeeze %dma_start3A_108 : memref<1x1x1x2000xi32, #tpu.memory_space<hbm>> -> memref<2000xi32, #tpu.memory_space<hbm>>
        tpu.enqueue_dma source(%dma_start3A_109 : memref<2000xi32, #tpu.memory_space<hbm>>) target(%arg10 : memref<2000xi32, #tpu.memory_space<vmem>>) target_semaphore(%run_scoped3A : memref<!tpu.dma_semaphore, #tpu.memory_space<semaphore_mem>>)
        %dma_wait3A = arith.constant 0 : i32
        %dma_wait3A_110 = tpu.memref_slice %arg6[%arg0, %arg1, %scan3A_88, %dma_wait3A] : memref<2x16x5x2000xi32, #tpu.memory_space<hbm>> -> memref<1x1x1x2000xi32, #tpu.memory_space<hbm>>
        %dma_wait3A_111 = tpu.memref_squeeze %dma_wait3A_110 : memref<1x1x1x2000xi32, #tpu.memory_space<hbm>> -> memref<2000xi32, #tpu.memory_space<hbm>>
        %dma_wait3A_112 = arith.constant 0 : i32
        %dma_wait3A_113 = tpu.memref_slice %arg6[%arg0, %arg1, %scan3A_88, %dma_wait3A_112] : memref<2x16x5x2000xi32, #tpu.memory_space<hbm>> -> memref<1x1x1x2000xi32, #tpu.memory_space<hbm>>
        %dma_wait3A_114 = tpu.memref_squeeze %dma_wait3A_113 : memref<1x1x1x2000xi32, #tpu.memory_space<hbm>> -> memref<2000xi32, #tpu.memory_space<hbm>>
        tpu.wait_dma2 semaphore(%run_scoped3A : memref<!tpu.dma_semaphore, #tpu.memory_space<semaphore_mem>>) src(%dma_wait3A_114 : memref<2000xi32, #tpu.memory_space<hbm>>) dst(%arg10 : memref<2000xi32, #tpu.memory_space<vmem>>)
        tpu.yield
      }) : () -> ()
      %scan3A_90 = arith.constant 0 : i32
      %scan3A_91 = arith.constant 0 : i32
      %scan3A_92 = arith.constant 25 : i32
      %scan3A_93 = arith.addi %scan3A_91, %scan3A_92 : i32
      %scan3A_94 = arith.constant 1 : i32
      %scan3A_95 = scf.for %scan3A_105 = %scan3A_91 to %scan3A_93 step %scan3A_94 iter_args(%scan3A_106 = %scan3A_90) -> (i32)  : i32 {
        %get3A = arith.index_cast %scan3A_105 : i32 to index
        %get3A_107 = arith.constant 0 : index
        %get3A_108 = tpu.vector_load %arg8[%get3A, %get3A_107] {strides = array<i32>} : memref<25x80xi32, #tpu.memory_space<vmem>>, vector<16xi32>,
        %mul3A_109 = arith.constant 80 : i32
        %mul3A_110 = arith.muli %scan3A_105, %mul3A_109 : i32
        %add3A_111 = arith.constant 0 : i32
        %add3A_112 = arith.addi %mul3A_110, %add3A_111 : i32
        %gather3A = tpu.vector_load_idx %arg12[%get3A_108] : memref<10240xf32, #tpu.memory_space<vmem>>[vector<16xi32>], vector<16xf32>,
        %get3A_113 = arith.index_cast %add3A_112 : i32 to index
        %get3A_114 = tpu.vector_load %arg9[%get3A_113] {strides = array<i32>} : memref<2000xi32, #tpu.memory_space<vmem>>, vector<16xi32>,
        %mul3A_115 = arith.constant 10000 : i32
        %mul3A_116 = arith.muli %arg0, %mul3A_115 : i32
        %sub3A = vector.broadcast %mul3A_116 : i32 to vector<16xi32>
        %sub3A_117 = arith.subi %get3A_114, %sub3A : vector<16xi32>
        %gather3A_118 = tpu.vector_load_idx %arg12[%sub3A_117] : memref<10240xf32, #tpu.memory_space<vmem>>[vector<16xi32>], vector<16xf32>,
        %mul3A_119 = arith.mulf %gather3A, %gather3A_118 : vector<16xf32>
        %swap3A = arith.index_cast %add3A_112 : i32 to index
        %swap3A_120 = tpu.vector_load %arg11[%swap3A] {strides = array<i32>} : memref<2000xf32, #tpu.memory_space<vmem>>, vector<16xf32>,
        tpu.vector_store %arg11[%swap3A], %mul3A_119 {strides = array<i32>} : memref<2000xf32, #tpu.memory_space<vmem>>, vector<16xf32>,
        %get3A_121 = arith.index_cast %scan3A_105 : i32 to index
        %get3A_122 = arith.constant 16 : index
        %get3A_123 = tpu.vector_load %arg8[%get3A_121, %get3A_122] {strides = array<i32>} : memref<25x80xi32, #tpu.memory_space<vmem>>, vector<16xi32>,
        %mul3A_124 = arith.constant 80 : i32
        %mul3A_125 = arith.muli %scan3A_105, %mul3A_124 : i32
        %add3A_126 = arith.constant 16 : i32
        %add3A_127 = arith.addi %mul3A_125, %add3A_126 : i32
        %gather3A_128 = tpu.vector_load_idx %arg12[%get3A_123] : memref<10240xf32, #tpu.memory_space<vmem>>[vector<16xi32>], vector<16xf32>,
        %get3A_129 = arith.index_cast %add3A_127 : i32 to index
        %get3A_130 = tpu.vector_load %arg9[%get3A_129] {strides = array<i32>} : memref<2000xi32, #tpu.memory_space<vmem>>, vector<16xi32>,
        %mul3A_131 = arith.constant 10000 : i32
        %mul3A_132 = arith.muli %arg0, %mul3A_131 : i32
        %sub3A_133 = vector.broadcast %mul3A_132 : i32 to vector<16xi32>
        %sub3A_134 = arith.subi %get3A_130, %sub3A_133 : vector<16xi32>
        %gather3A_135 = tpu.vector_load_idx %arg12[%sub3A_134] : memref<10240xf32, #tpu.memory_space<vmem>>[vector<16xi32>], vector<16xf32>,
        %mul3A_136 = arith.mulf %gather3A_128, %gather3A_135 : vector<16xf32>
        %swap3A_137 = arith.index_cast %add3A_127 : i32 to index
        %swap3A_138 = tpu.vector_load %arg11[%swap3A_137] {strides = array<i32>} : memref<2000xf32, #tpu.memory_space<vmem>>, vector<16xf32>,
        tpu.vector_store %arg11[%swap3A_137], %mul3A_136 {strides = array<i32>} : memref<2000xf32, #tpu.memory_space<vmem>>, vector<16xf32>,
        %get3A_139 = arith.index_cast %scan3A_105 : i32 to index
        %get3A_140 = arith.constant 32 : index
        %get3A_141 = tpu.vector_load %arg8[%get3A_139, %get3A_140] {strides = array<i32>} : memref<25x80xi32, #tpu.memory_space<vmem>>, vector<16xi32>,
        %mul3A_142 = arith.constant 80 : i32
        %mul3A_143 = arith.muli %scan3A_105, %mul3A_142 : i32
        %add3A_144 = arith.constant 32 : i32
        %add3A_145 = arith.addi %mul3A_143, %add3A_144 : i32
        %gather3A_146 = tpu.vector_load_idx %arg12[%get3A_141] : memref<10240xf32, #tpu.memory_space<vmem>>[vector<16xi32>], vector<16xf32>,
        %get3A_147 = arith.index_cast %add3A_145 : i32 to index
        %get3A_148 = tpu.vector_load %arg9[%get3A_147] {strides = array<i32>} : memref<2000xi32, #tpu.memory_space<vmem>>, vector<16xi32>,
        %mul3A_149 = arith.constant 10000 : i32
        %mul3A_150 = arith.muli %arg0, %mul3A_149 : i32
        %sub3A_151 = vector.broadcast %mul3A_150 : i32 to vector<16xi32>
        %sub3A_152 = arith.subi %get3A_148, %sub3A_151 : vector<16xi32>
        %gather3A_153 = tpu.vector_load_idx %arg12[%sub3A_152] : memref<10240xf32, #tpu.memory_space<vmem>>[vector<16xi32>], vector<16xf32>,
        %mul3A_154 = arith.mulf %gather3A_146, %gather3A_153 : vector<16xf32>
        %swap3A_155 = arith.index_cast %add3A_145 : i32 to index
        %swap3A_156 = tpu.vector_load %arg11[%swap3A_155] {strides = array<i32>} : memref<2000xf32, #tpu.memory_space<vmem>>, vector<16xf32>,
        tpu.vector_store %arg11[%swap3A_155], %mul3A_154 {strides = array<i32>} : memref<2000xf32, #tpu.memory_space<vmem>>, vector<16xf32>,
        %get3A_157 = arith.index_cast %scan3A_105 : i32 to index
        %get3A_158 = arith.constant 48 : index
        %get3A_159 = tpu.vector_load %arg8[%get3A_157, %get3A_158] {strides = array<i32>} : memref<25x80xi32, #tpu.memory_space<vmem>>, vector<16xi32>,
        %mul3A_160 = arith.constant 80 : i32
        %mul3A_161 = arith.muli %scan3A_105, %mul3A_160 : i32
        %add3A_162 = arith.constant 48 : i32
        %add3A_163 = arith.addi %mul3A_161, %add3A_162 : i32
        %gather3A_164 = tpu.vector_load_idx %arg12[%get3A_159] : memref<10240xf32, #tpu.memory_space<vmem>>[vector<16xi32>], vector<16xf32>,
        %get3A_165 = arith.index_cast %add3A_163 : i32 to index
        %get3A_166 = tpu.vector_load %arg9[%get3A_165] {strides = array<i32>} : memref<2000xi32, #tpu.memory_space<vmem>>, vector<16xi32>,
        %mul3A_167 = arith.constant 10000 : i32
        %mul3A_168 = arith.muli %arg0, %mul3A_167 : i32
        %sub3A_169 = vector.broadcast %mul3A_168 : i32 to vector<16xi32>
        %sub3A_170 = arith.subi %get3A_166, %sub3A_169 : vector<16xi32>
        %gather3A_171 = tpu.vector_load_idx %arg12[%sub3A_170] : memref<10240xf32, #tpu.memory_space<vmem>>[vector<16xi32>], vector<16xf32>,
        %mul3A_172 = arith.mulf %gather3A_164, %gather3A_171 : vector<16xf32>
        %swap3A_173 = arith.index_cast %add3A_163 : i32 to index
        %swap3A_174 = tpu.vector_load %arg11[%swap3A_173] {strides = array<i32>} : memref<2000xf32, #tpu.memory_space<vmem>>, vector<16xf32>,
        tpu.vector_store %arg11[%swap3A_173], %mul3A_172 {strides = array<i32>} : memref<2000xf32, #tpu.memory_space<vmem>>, vector<16xf32>,
        %get3A_175 = arith.index_cast %scan3A_105 : i32 to index
        %get3A_176 = arith.constant 64 : index
        %get3A_177 = tpu.vector_load %arg8[%get3A_175, %get3A_176] {strides = array<i32>} : memref<25x80xi32, #tpu.memory_space<vmem>>, vector<16xi32>,
        %mul3A_178 = arith.constant 80 : i32
        %mul3A_179 = arith.muli %scan3A_105, %mul3A_178 : i32
        %add3A_180 = arith.constant 64 : i32
        %add3A_181 = arith.addi %mul3A_179, %add3A_180 : i32
        %gather3A_182 = tpu.vector_load_idx %arg12[%get3A_177] : memref<10240xf32, #tpu.memory_space<vmem>>[vector<16xi32>], vector<16xf32>,
        %get3A_183 = arith.index_cast %add3A_181 : i32 to index
        %get3A_184 = tpu.vector_load %arg9[%get3A_183] {strides = array<i32>} : memref<2000xi32, #tpu.memory_space<vmem>>, vector<16xi32>,
        %mul3A_185 = arith.constant 10000 : i32
        %mul3A_186 = arith.muli %arg0, %mul3A_185 : i32
        %sub3A_187 = vector.broadcast %mul3A_186 : i32 to vector<16xi32>
        %sub3A_188 = arith.subi %get3A_184, %sub3A_187 : vector<16xi32>
        %gather3A_189 = tpu.vector_load_idx %arg12[%sub3A_188] : memref<10240xf32, #tpu.memory_space<vmem>>[vector<16xi32>], vector<16xf32>,
        %mul3A_190 = arith.mulf %gather3A_182, %gather3A_189 : vector<16xf32>
        %swap3A_191 = arith.index_cast %add3A_181 : i32 to index
        %swap3A_192 = tpu.vector_load %arg11[%swap3A_191] {strides = array<i32>} : memref<2000xf32, #tpu.memory_space<vmem>>, vector<16xf32>,
        tpu.vector_store %arg11[%swap3A_191], %mul3A_190 {strides = array<i32>} : memref<2000xf32, #tpu.memory_space<vmem>>, vector<16xf32>,
        %scan3A_193 = arith.constant 0 : i32
        scf.yield %scan3A_193 : i32
      }
      %scan3A_96 = arith.constant 25 : i32
      %scan3A_97 = arith.constant 0 : i32
      %scan3A_98 = arith.constant 0 : i32
      %scan3A_99 = arith.constant 25 : i32
      %scan3A_100 = arith.addi %scan3A_98, %scan3A_99 : i32
      %scan3A_101 = arith.constant 1 : i32
      %scan3A_102 = scf.for %scan3A_105 = %scan3A_98 to %scan3A_100 step %scan3A_101 iter_args(%scan3A_106 = %scan3A_97) -> (i32)  : i32 {
        %mul3A_107 = arith.constant 80 : i32
        %mul3A_108 = arith.muli %scan3A_105, %mul3A_107 : i32
        "tpu.region"() ({
          %run_scoped3A = tpu.sem_alloc : memref<!tpu.dma_semaphore, #tpu.memory_space<semaphore_mem>>
          %dma_start3A = tpu.memref_slice %arg9[%mul3A_108] : memref<2000xi32, #tpu.memory_space<vmem>> -> memref<80xi32, #tpu.memory_space<vmem>>
          %dma_start3A_114 = arith.constant 0 : i32
          %dma_start3A_115 = arith.constant 0 : i32
          %dma_start3A_116 = tpu.memref_slice %arg2[%dma_start3A_114, %dma_start3A_115] : memref<20000x128xf32, #tpu.memory_space<hbm>> -> memref<20000x128xf32, #tpu.memory_space<hbm>>
          tpu.enqueue_indirect_dma source(%dma_start3A_116 : memref<20000x128xf32, #tpu.memory_space<hbm>>) target(%arg13 : memref<80x128xf32, #tpu.memory_space<vmem>>) offsets(%dma_start3A : memref<80xi32, #tpu.memory_space<vmem>>) semaphore(%run_scoped3A : memref<!tpu.dma_semaphore, #tpu.memory_space<semaphore_mem>>)
          %dma_wait3A = tpu.memref_slice %arg9[%mul3A_108] : memref<2000xi32, #tpu.memory_space<vmem>> -> memref<80xi32, #tpu.memory_space<vmem>>
          %dma_wait3A_117 = arith.constant 0 : i32
          %dma_wait3A_118 = arith.constant 0 : i32
          %dma_wait3A_119 = tpu.memref_slice %arg2[%dma_wait3A_117, %dma_wait3A_118] : memref<20000x128xf32, #tpu.memory_space<hbm>> -> memref<20000x128xf32, #tpu.memory_space<hbm>>
          tpu.wait_indirect_dma semaphore(%run_scoped3A : memref<!tpu.dma_semaphore, #tpu.memory_space<semaphore_mem>>) src(%dma_wait3A_119 : memref<20000x128xf32, #tpu.memory_space<hbm>>) dst(%arg13 : memref<80x128xf32, #tpu.memory_space<vmem>>)
          tpu.yield
        }) : () -> ()
        %mul3A_109 = arith.constant 80 : i32
        %mul3A_110 = arith.muli %scan3A_105, %mul3A_109 : i32
        "tpu.region"() ({
          %run_scoped3A = tpu.sem_alloc : memref<!tpu.dma_semaphore, #tpu.memory_space<semaphore_mem>>
          %dma_start3A = tpu.memref_slice %arg10[%mul3A_110] : memref<2000xi32, #tpu.memory_space<vmem>> -> memref<80xi32, #tpu.memory_space<vmem>>
          %dma_start3A_114 = arith.constant 0 : i32
          %dma_start3A_115 = arith.constant 0 : i32
          %dma_start3A_116 = tpu.memref_slice %arg17[%dma_start3A_114, %dma_start3A_115] : memref<512x128xf32, #tpu.memory_space<vmem_shared>> -> memref<512x128xf32, #tpu.memory_space<vmem_shared>>
          tpu.enqueue_indirect_dma source(%dma_start3A_116 : memref<512x128xf32, #tpu.memory_space<vmem_shared>>) target(%arg14 : memref<80x128xf32, #tpu.memory_space<vmem>>) offsets(%dma_start3A : memref<80xi32, #tpu.memory_space<vmem>>) semaphore(%run_scoped3A : memref<!tpu.dma_semaphore, #tpu.memory_space<semaphore_mem>>)
          %dma_wait3A = tpu.memref_slice %arg10[%mul3A_110] : memref<2000xi32, #tpu.memory_space<vmem>> -> memref<80xi32, #tpu.memory_space<vmem>>
          %dma_wait3A_117 = arith.constant 0 : i32
          %dma_wait3A_118 = arith.constant 0 : i32
          %dma_wait3A_119 = tpu.memref_slice %arg17[%dma_wait3A_117, %dma_wait3A_118] : memref<512x128xf32, #tpu.memory_space<vmem_shared>> -> memref<512x128xf32, #tpu.memory_space<vmem_shared>>
          tpu.wait_indirect_dma semaphore(%run_scoped3A : memref<!tpu.dma_semaphore, #tpu.memory_space<semaphore_mem>>) src(%dma_wait3A_119 : memref<512x128xf32, #tpu.memory_space<vmem_shared>>) dst(%arg14 : memref<80x128xf32, #tpu.memory_space<vmem>>)
          tpu.yield
        }) : () -> ()
        %parallel_loop3A = arith.constant 0 : i32
        %parallel_loop3A_111 = arith.constant 80 : i32
        %parallel_loop3A_112 = arith.constant 1 : i32
        scf.for %parallel_loop3A_114 = %parallel_loop3A to %parallel_loop3A_111 step %parallel_loop3A_112  : i32 {
          %parallel_loop3A_115 = arith.constant 80 : i32
          %parallel_loop3A_116 = arith.muli %scan3A_105, %parallel_loop3A_115 : i32
          %parallel_loop3A_117 = arith.addi %parallel_loop3A_116, %parallel_loop3A_114 : i32
          %parallel_loop3A_118 = vector.broadcast %parallel_loop3A_117 : i32 to vector<16xi32>
          %parallel_loop3A_119 = tpu.vector_load_idx %arg11[%parallel_loop3A_118] : memref<2000xf32, #tpu.memory_space<vmem>>[vector<16xi32>], vector<16xf32>,
          %parallel_loop3A_120 = arith.index_cast %parallel_loop3A_114 : i32 to index
          %parallel_loop3A_121 = arith.constant 0 : index
          %parallel_loop3A_122 = tpu.vector_load %arg13[%parallel_loop3A_120, %parallel_loop3A_121] {strides = array<i32>} : memref<80x128xf32, #tpu.memory_space<vmem>>, vector<16xf32>,
          %parallel_loop3A_123 = arith.index_cast %parallel_loop3A_114 : i32 to index
          %parallel_loop3A_124 = arith.constant 0 : index
          %parallel_loop3A_125 = tpu.vector_load %arg14[%parallel_loop3A_123, %parallel_loop3A_124] {strides = array<i32>} : memref<80x128xf32, #tpu.memory_space<vmem>>, vector<16xf32>,
          %parallel_loop3A_126 = arith.subf %parallel_loop3A_122, %parallel_loop3A_125 : vector<16xf32>
          %parallel_loop3A_127 = arith.mulf %parallel_loop3A_126, %parallel_loop3A_119 : vector<16xf32>
          %parallel_loop3A_128 = arith.index_cast %parallel_loop3A_114 : i32 to index
          %parallel_loop3A_129 = arith.constant 0 : index
          %parallel_loop3A_130 = tpu.vector_load %arg13[%parallel_loop3A_128, %parallel_loop3A_129] {strides = array<i32>} : memref<80x128xf32, #tpu.memory_space<vmem>>, vector<16xf32>,
          tpu.vector_store %arg13[%parallel_loop3A_128, %parallel_loop3A_129], %parallel_loop3A_127 {strides = array<i32>} : memref<80x128xf32, #tpu.memory_space<vmem>>, vector<16xf32>,
          %parallel_loop3A_131 = arith.index_cast %parallel_loop3A_114 : i32 to index
          %parallel_loop3A_132 = arith.constant 16 : index
          %parallel_loop3A_133 = tpu.vector_load %arg13[%parallel_loop3A_131, %parallel_loop3A_132] {strides = array<i32>} : memref<80x128xf32, #tpu.memory_space<vmem>>, vector<16xf32>,
          %parallel_loop3A_134 = arith.index_cast %parallel_loop3A_114 : i32 to index
          %parallel_loop3A_135 = arith.constant 16 : index
          %parallel_loop3A_136 = tpu.vector_load %arg14[%parallel_loop3A_134, %parallel_loop3A_135] {strides = array<i32>} : memref<80x128xf32, #tpu.memory_space<vmem>>, vector<16xf32>,
          %parallel_loop3A_137 = arith.subf %parallel_loop3A_133, %parallel_loop3A_136 : vector<16xf32>
          %parallel_loop3A_138 = arith.mulf %parallel_loop3A_137, %parallel_loop3A_119 : vector<16xf32>
          %parallel_loop3A_139 = arith.index_cast %parallel_loop3A_114 : i32 to index
          %parallel_loop3A_140 = arith.constant 16 : index
          %parallel_loop3A_141 = tpu.vector_load %arg13[%parallel_loop3A_139, %parallel_loop3A_140] {strides = array<i32>} : memref<80x128xf32, #tpu.memory_space<vmem>>, vector<16xf32>,
          tpu.vector_store %arg13[%parallel_loop3A_139, %parallel_loop3A_140], %parallel_loop3A_138 {strides = array<i32>} : memref<80x128xf32, #tpu.memory_space<vmem>>, vector<16xf32>,
          %parallel_loop3A_142 = arith.index_cast %parallel_loop3A_114 : i32 to index
          %parallel_loop3A_143 = arith.constant 32 : index
          %parallel_loop3A_144 = tpu.vector_load %arg13[%parallel_loop3A_142, %parallel_loop3A_143] {strides = array<i32>} : memref<80x128xf32, #tpu.memory_space<vmem>>, vector<16xf32>,
          %parallel_loop3A_145 = arith.index_cast %parallel_loop3A_114 : i32 to index
          %parallel_loop3A_146 = arith.constant 32 : index
          %parallel_loop3A_147 = tpu.vector_load %arg14[%parallel_loop3A_145, %parallel_loop3A_146] {strides = array<i32>} : memref<80x128xf32, #tpu.memory_space<vmem>>, vector<16xf32>,
          %parallel_loop3A_148 = arith.subf %parallel_loop3A_144, %parallel_loop3A_147 : vector<16xf32>
          %parallel_loop3A_149 = arith.mulf %parallel_loop3A_148, %parallel_loop3A_119 : vector<16xf32>
          %parallel_loop3A_150 = arith.index_cast %parallel_loop3A_114 : i32 to index
          %parallel_loop3A_151 = arith.constant 32 : index
          %parallel_loop3A_152 = tpu.vector_load %arg13[%parallel_loop3A_150, %parallel_loop3A_151] {strides = array<i32>} : memref<80x128xf32, #tpu.memory_space<vmem>>, vector<16xf32>,
          tpu.vector_store %arg13[%parallel_loop3A_150, %parallel_loop3A_151], %parallel_loop3A_149 {strides = array<i32>} : memref<80x128xf32, #tpu.memory_space<vmem>>, vector<16xf32>,
          %parallel_loop3A_153 = arith.index_cast %parallel_loop3A_114 : i32 to index
          %parallel_loop3A_154 = arith.constant 48 : index
          %parallel_loop3A_155 = tpu.vector_load %arg13[%parallel_loop3A_153, %parallel_loop3A_154] {strides = array<i32>} : memref<80x128xf32, #tpu.memory_space<vmem>>, vector<16xf32>,
          %parallel_loop3A_156 = arith.index_cast %parallel_loop3A_114 : i32 to index
          %parallel_loop3A_157 = arith.constant 48 : index
          %parallel_loop3A_158 = tpu.vector_load %arg14[%parallel_loop3A_156, %parallel_loop3A_157] {strides = array<i32>} : memref<80x128xf32, #tpu.memory_space<vmem>>, vector<16xf32>,
          %parallel_loop3A_159 = arith.subf %parallel_loop3A_155, %parallel_loop3A_158 : vector<16xf32>
          %parallel_loop3A_160 = arith.mulf %parallel_loop3A_159, %parallel_loop3A_119 : vector<16xf32>
          %parallel_loop3A_161 = arith.index_cast %parallel_loop3A_114 : i32 to index
          %parallel_loop3A_162 = arith.constant 48 : index
          %parallel_loop3A_163 = tpu.vector_load %arg13[%parallel_loop3A_161, %parallel_loop3A_162] {strides = array<i32>} : memref<80x128xf32, #tpu.memory_space<vmem>>, vector<16xf32>,
          tpu.vector_store %arg13[%parallel_loop3A_161, %parallel_loop3A_162], %parallel_loop3A_160 {strides = array<i32>} : memref<80x128xf32, #tpu.memory_space<vmem>>, vector<16xf32>,
          %parallel_loop3A_164 = arith.index_cast %parallel_loop3A_114 : i32 to index
          %parallel_loop3A_165 = arith.constant 64 : index
          %parallel_loop3A_166 = tpu.vector_load %arg13[%parallel_loop3A_164, %parallel_loop3A_165] {strides = array<i32>} : memref<80x128xf32, #tpu.memory_space<vmem>>, vector<16xf32>,
          %parallel_loop3A_167 = arith.index_cast %parallel_loop3A_114 : i32 to index
          %parallel_loop3A_168 = arith.constant 64 : index
          %parallel_loop3A_169 = tpu.vector_load %arg14[%parallel_loop3A_167, %parallel_loop3A_168] {strides = array<i32>} : memref<80x128xf32, #tpu.memory_space<vmem>>, vector<16xf32>,
          %parallel_loop3A_170 = arith.subf %parallel_loop3A_166, %parallel_loop3A_169 : vector<16xf32>
          %parallel_loop3A_171 = arith.mulf %parallel_loop3A_170, %parallel_loop3A_119 : vector<16xf32>
          %parallel_loop3A_172 = arith.index_cast %parallel_loop3A_114 : i32 to index
          %parallel_loop3A_173 = arith.constant 64 : index
          %parallel_loop3A_174 = tpu.vector_load %arg13[%parallel_loop3A_172, %parallel_loop3A_173] {strides = array<i32>} : memref<80x128xf32, #tpu.memory_space<vmem>>, vector<16xf32>,
          tpu.vector_store %arg13[%parallel_loop3A_172, %parallel_loop3A_173], %parallel_loop3A_171 {strides = array<i32>} : memref<80x128xf32, #tpu.memory_space<vmem>>, vector<16xf32>,
          %parallel_loop3A_175 = arith.index_cast %parallel_loop3A_114 : i32 to index
          %parallel_loop3A_176 = arith.constant 80 : index
          %parallel_loop3A_177 = tpu.vector_load %arg13[%parallel_loop3A_175, %parallel_loop3A_176] {strides = array<i32>} : memref<80x128xf32, #tpu.memory_space<vmem>>, vector<16xf32>,
          %parallel_loop3A_178 = arith.index_cast %parallel_loop3A_114 : i32 to index
          %parallel_loop3A_179 = arith.constant 80 : index
          %parallel_loop3A_180 = tpu.vector_load %arg14[%parallel_loop3A_178, %parallel_loop3A_179] {strides = array<i32>} : memref<80x128xf32, #tpu.memory_space<vmem>>, vector<16xf32>,
          %parallel_loop3A_181 = arith.subf %parallel_loop3A_177, %parallel_loop3A_180 : vector<16xf32>
          %parallel_loop3A_182 = arith.mulf %parallel_loop3A_181, %parallel_loop3A_119 : vector<16xf32>
          %parallel_loop3A_183 = arith.index_cast %parallel_loop3A_114 : i32 to index
          %parallel_loop3A_184 = arith.constant 80 : index
          %parallel_loop3A_185 = tpu.vector_load %arg13[%parallel_loop3A_183, %parallel_loop3A_184] {strides = array<i32>} : memref<80x128xf32, #tpu.memory_space<vmem>>, vector<16xf32>,
          tpu.vector_store %arg13[%parallel_loop3A_183, %parallel_loop3A_184], %parallel_loop3A_182 {strides = array<i32>} : memref<80x128xf32, #tpu.memory_space<vmem>>, vector<16xf32>,
          %parallel_loop3A_186 = arith.index_cast %parallel_loop3A_114 : i32 to index
          %parallel_loop3A_187 = arith.constant 96 : index
          %parallel_loop3A_188 = tpu.vector_load %arg13[%parallel_loop3A_186, %parallel_loop3A_187] {strides = array<i32>} : memref<80x128xf32, #tpu.memory_space<vmem>>, vector<16xf32>,
          %parallel_loop3A_189 = arith.index_cast %parallel_loop3A_114 : i32 to index
          %parallel_loop3A_190 = arith.constant 96 : index
          %parallel_loop3A_191 = tpu.vector_load %arg14[%parallel_loop3A_189, %parallel_loop3A_190] {strides = array<i32>} : memref<80x128xf32, #tpu.memory_space<vmem>>, vector<16xf32>,
          %parallel_loop3A_192 = arith.subf %parallel_loop3A_188, %parallel_loop3A_191 : vector<16xf32>
          %parallel_loop3A_193 = arith.mulf %parallel_loop3A_192, %parallel_loop3A_119 : vector<16xf32>
          %parallel_loop3A_194 = arith.index_cast %parallel_loop3A_114 : i32 to index
          %parallel_loop3A_195 = arith.constant 96 : index
          %parallel_loop3A_196 = tpu.vector_load %arg13[%parallel_loop3A_194, %parallel_loop3A_195] {strides = array<i32>} : memref<80x128xf32, #tpu.memory_space<vmem>>, vector<16xf32>,
          tpu.vector_store %arg13[%parallel_loop3A_194, %parallel_loop3A_195], %parallel_loop3A_193 {strides = array<i32>} : memref<80x128xf32, #tpu.memory_space<vmem>>, vector<16xf32>,
          %parallel_loop3A_197 = arith.index_cast %parallel_loop3A_114 : i32 to index
          %parallel_loop3A_198 = arith.constant 112 : index
          %parallel_loop3A_199 = tpu.vector_load %arg13[%parallel_loop3A_197, %parallel_loop3A_198] {strides = array<i32>} : memref<80x128xf32, #tpu.memory_space<vmem>>, vector<16xf32>,
          %parallel_loop3A_200 = arith.index_cast %parallel_loop3A_114 : i32 to index
          %parallel_loop3A_201 = arith.constant 112 : index
          %parallel_loop3A_202 = tpu.vector_load %arg14[%parallel_loop3A_200, %parallel_loop3A_201] {strides = array<i32>} : memref<80x128xf32, #tpu.memory_space<vmem>>, vector<16xf32>,
          %parallel_loop3A_203 = arith.subf %parallel_loop3A_199, %parallel_loop3A_202 : vector<16xf32>
          %parallel_loop3A_204 = arith.mulf %parallel_loop3A_203, %parallel_loop3A_119 : vector<16xf32>
          %parallel_loop3A_205 = arith.index_cast %parallel_loop3A_114 : i32 to index
          %parallel_loop3A_206 = arith.constant 112 : index
          %parallel_loop3A_207 = tpu.vector_load %arg13[%parallel_loop3A_205, %parallel_loop3A_206] {strides = array<i32>} : memref<80x128xf32, #tpu.memory_space<vmem>>, vector<16xf32>,
          tpu.vector_store %arg13[%parallel_loop3A_205, %parallel_loop3A_206], %parallel_loop3A_204 {strides = array<i32>} : memref<80x128xf32, #tpu.memory_space<vmem>>, vector<16xf32>,
        } {sc.loop_unroll_factor = 2 : i64, sc.parallel_access}
        "tpu.region"() ({
          %run_scoped3A = tpu.sem_alloc : memref<!tpu.dma_semaphore, #tpu.memory_space<semaphore_mem>>
          %dma_start3A = arith.constant 0 : i32
          %dma_start3A_114 = tpu.memref_slice %arg8[%scan3A_105, %dma_start3A] : memref<25x80xi32, #tpu.memory_space<vmem>> -> memref<1x80xi32, #tpu.memory_space<vmem>>
          %dma_start3A_115 = tpu.memref_squeeze %dma_start3A_114 : memref<1x80xi32, #tpu.memory_space<vmem>> -> memref<80xi32, #tpu.memory_space<vmem>>
          %dma_start3A_116 = arith.constant 0 : i32
          %dma_start3A_117 = arith.constant 0 : i32
          %dma_start3A_118 = tpu.memref_slice %arg19[%dma_start3A_116, %dma_start3A_117] : memref<10240x128xf32, #tpu.memory_space<vmem_shared>> -> memref<10240x128xf32, #tpu.memory_space<vmem_shared>>
          tpu.enqueue_indirect_dma source(%arg13 : memref<80x128xf32, #tpu.memory_space<vmem>>) target(%dma_start3A_118 : memref<10240x128xf32, #tpu.memory_space<vmem_shared>>) offsets(%dma_start3A_115 : memref<80xi32, #tpu.memory_space<vmem>>) semaphore(%run_scoped3A : memref<!tpu.dma_semaphore, #tpu.memory_space<semaphore_mem>>) {add = true}
          %dma_wait3A = arith.constant 0 : i32
          %dma_wait3A_119 = tpu.memref_slice %arg8[%scan3A_105, %dma_wait3A] : memref<25x80xi32, #tpu.memory_space<vmem>> -> memref<1x80xi32, #tpu.memory_space<vmem>>
          %dma_wait3A_120 = tpu.memref_squeeze %dma_wait3A_119 : memref<1x80xi32, #tpu.memory_space<vmem>> -> memref<80xi32, #tpu.memory_space<vmem>>
          %dma_wait3A_121 = arith.constant 0 : i32
          %dma_wait3A_122 = arith.constant 0 : i32
          %dma_wait3A_123 = tpu.memref_slice %arg19[%dma_wait3A_121, %dma_wait3A_122] : memref<10240x128xf32, #tpu.memory_space<vmem_shared>> -> memref<10240x128xf32, #tpu.memory_space<vmem_shared>>
          tpu.wait_indirect_dma semaphore(%run_scoped3A : memref<!tpu.dma_semaphore, #tpu.memory_space<semaphore_mem>>) src(%arg13 : memref<80x128xf32, #tpu.memory_space<vmem>>) dst(%dma_wait3A_123 : memref<10240x128xf32, #tpu.memory_space<vmem_shared>>)
          tpu.yield
        }) : () -> ()
        %scan3A_113 = arith.constant 0 : i32
        scf.yield %scan3A_113 : i32
      }
      %scan3A_103 = arith.constant 25 : i32
      %scan3A_104 = arith.constant 0 : i32
      scf.yield %scan3A_104 : i32
    }
    %scan3A_82 = arith.constant 5 : i32
    %barrier3A_83 = arith.constant 0 : index
    tpu.barrier barrier_id(%barrier3A_83)
    %mul3A_84 = arith.constant 640 : i32
    %mul3A_85 = arith.muli %arg1, %mul3A_84 : i32
    %mul3A_86 = arith.constant 640 : i32
    %mul3A_87 = arith.muli %arg1, %mul3A_86 : i32
    "tpu.region"() ({
      %run_scoped3A = tpu.sem_alloc : memref<!tpu.dma_semaphore, #tpu.memory_space<semaphore_mem>>
      %dma_start3A = arith.constant 0 : i32
      %dma_start3A_88 = tpu.memref_slice %arg7[%arg0, %mul3A_87, %dma_start3A] : memref<2x10240x128xf32, #tpu.memory_space<hbm>> -> memref<1x640x128xf32, #tpu.memory_space<hbm>>
      %dma_start3A_89 = tpu.memref_squeeze %dma_start3A_88 : memref<1x640x128xf32, #tpu.memory_space<hbm>> -> memref<640x128xf32, #tpu.memory_space<hbm>>
      %dma_start3A_90 = arith.constant 0 : i32
      %dma_start3A_91 = tpu.memref_slice %arg19[%mul3A_85, %dma_start3A_90] : memref<10240x128xf32, #tpu.memory_space<vmem_shared>> -> memref<640x128xf32, #tpu.memory_space<vmem_shared>>
      tpu.enqueue_dma source(%dma_start3A_91 : memref<640x128xf32, #tpu.memory_space<vmem_shared>>) target(%dma_start3A_89 : memref<640x128xf32, #tpu.memory_space<hbm>>) target_semaphore(%run_scoped3A : memref<!tpu.dma_semaphore, #tpu.memory_space<semaphore_mem>>)
      %dma_wait3A = arith.constant 0 : i32
      %dma_wait3A_92 = tpu.memref_slice %arg7[%arg0, %mul3A_87, %dma_wait3A] : memref<2x10240x128xf32, #tpu.memory_space<hbm>> -> memref<1x640x128xf32, #tpu.memory_space<hbm>>
      %dma_wait3A_93 = tpu.memref_squeeze %dma_wait3A_92 : memref<1x640x128xf32, #tpu.memory_space<hbm>> -> memref<640x128xf32, #tpu.memory_space<hbm>>
      %dma_wait3A_94 = arith.constant 0 : i32
      %dma_wait3A_95 = tpu.memref_slice %arg19[%mul3A_85, %dma_wait3A_94] : memref<10240x128xf32, #tpu.memory_space<vmem_shared>> -> memref<640x128xf32, #tpu.memory_space<vmem_shared>>
      tpu.wait_dma2 semaphore(%run_scoped3A : memref<!tpu.dma_semaphore, #tpu.memory_space<semaphore_mem>>) src(%dma_wait3A_95 : memref<640x128xf32, #tpu.memory_space<vmem_shared>>) dst(%dma_wait3A_93 : memref<640x128xf32, #tpu.memory_space<hbm>>)
      tpu.yield
    }) : () -> ()
    return
  }
}

module attributes {stable_mosaic.version = 14 : i64} {
  func.func @_rel_kernel(%arg0: memref<474x128xf32, #tpu.memory_space<vmem>>, %arg1: memref<128x128xf32, #tpu.memory_space<vmem>>, %arg2: memref<128x128xf32, #tpu.memory_space<vmem>>, %arg3: memref<128x128xf32, #tpu.memory_space<vmem>>, %arg4: memref<474x128xf32, #tpu.memory_space<vmem>>, %arg5: memref<474x128xf32, #tpu.memory_space<vmem>>, %arg6: memref<474x128xf32, #tpu.memory_space<vmem>>) attributes {dimension_semantics = [], scalar_prefetch = 0 : i64, scratch_operands = 0 : i64, tpu.core_type = #tpu.core_type<tc>} {
    %get3A = arith.constant 0 : index
    %get3A_0 = arith.constant 0 : index
    %get3A_1 = vector.load %arg0[%get3A, %get3A_0] : memref<474x128xf32, #tpu.memory_space<vmem>>, vector<474x128xf32>
    %get3A_2 = arith.constant 0 : index
    %get3A_3 = arith.constant 0 : index
    %get3A_4 = vector.load %arg1[%get3A_2, %get3A_3] : memref<128x128xf32, #tpu.memory_space<vmem>>, vector<128x128xf32>
    %dot_general3A = arith.constant dense<0.000000e+00> : vector<474x128xf32>
    %dot_general3A_5 = tpu.matmul %get3A_1, %get3A_4, %dot_general3A {dimension_numbers = #tpu.dot_dimension_numbers<[1], [0], [0], [1], [0, 0, 1, 1], [], []>, transpose_lhs_hint = false} : vector<474x128xf32>, vector<128x128xf32>, vector<474x128xf32> -> vector<474x128xf32>
    %swap3A = arith.constant 0 : index
    %swap3A_6 = arith.constant 0 : index
    %swap3A_7 = vector.load %arg4[%swap3A, %swap3A_6] : memref<474x128xf32, #tpu.memory_space<vmem>>, vector<474x128xf32>
    tpu.vector_store %arg4[%swap3A, %swap3A_6], %dot_general3A_5 {strides = array<i32>} : memref<474x128xf32, #tpu.memory_space<vmem>>, vector<474x128xf32>,
    %get3A_8 = arith.constant 0 : index
    %get3A_9 = arith.constant 0 : index
    %get3A_10 = vector.load %arg2[%get3A_8, %get3A_9] : memref<128x128xf32, #tpu.memory_space<vmem>>, vector<128x128xf32>
    %dot_general3A_11 = arith.constant dense<0.000000e+00> : vector<474x128xf32>
    %dot_general3A_12 = tpu.matmul %get3A_1, %get3A_10, %dot_general3A_11 {dimension_numbers = #tpu.dot_dimension_numbers<[1], [0], [0], [1], [0, 0, 1, 1], [], []>, transpose_lhs_hint = false} : vector<474x128xf32>, vector<128x128xf32>, vector<474x128xf32> -> vector<474x128xf32>
    %swap3A_13 = arith.constant 0 : index
    %swap3A_14 = arith.constant 0 : index
    %swap3A_15 = vector.load %arg5[%swap3A_13, %swap3A_14] : memref<474x128xf32, #tpu.memory_space<vmem>>, vector<474x128xf32>
    tpu.vector_store %arg5[%swap3A_13, %swap3A_14], %dot_general3A_12 {strides = array<i32>} : memref<474x128xf32, #tpu.memory_space<vmem>>, vector<474x128xf32>,
    %get3A_16 = arith.constant 0 : index
    %get3A_17 = arith.constant 0 : index
    %get3A_18 = vector.load %arg3[%get3A_16, %get3A_17] : memref<128x128xf32, #tpu.memory_space<vmem>>, vector<128x128xf32>
    %dot_general3A_19 = arith.constant dense<0.000000e+00> : vector<474x128xf32>
    %dot_general3A_20 = tpu.matmul %get3A_1, %get3A_18, %dot_general3A_19 {dimension_numbers = #tpu.dot_dimension_numbers<[1], [0], [0], [1], [0, 0, 1, 1], [], []>, transpose_lhs_hint = false} : vector<474x128xf32>, vector<128x128xf32>, vector<474x128xf32> -> vector<474x128xf32>
    %swap3A_21 = arith.constant 0 : index
    %swap3A_22 = arith.constant 0 : index
    %swap3A_23 = vector.load %arg6[%swap3A_21, %swap3A_22] : memref<474x128xf32, #tpu.memory_space<vmem>>, vector<474x128xf32>
    tpu.vector_store %arg6[%swap3A_21, %swap3A_22], %dot_general3A_20 {strides = array<i32>} : memref<474x128xf32, #tpu.memory_space<vmem>>, vector<474x128xf32>,
    return
  }
}

module attributes {stable_mosaic.version = 14 : i64} {
  func.func @_mm_kernel(%arg0: i32, %arg1: memref<1000x128xf32, #tpu.memory_space<vmem>>, %arg2: memref<1x128xf32, #tpu.memory_space<vmem>>, %arg3: memref<128x128xf32, #tpu.memory_space<vmem>>, %arg4: memref<128x128xf32, #tpu.memory_space<vmem>>, %arg5: memref<128x128xf32, #tpu.memory_space<vmem>>, %arg6: memref<1000x128xf32, #tpu.memory_space<vmem>>, %arg7: memref<1000x128xf32, #tpu.memory_space<vmem>>, %arg8: memref<1000x128xf32, #tpu.memory_space<vmem>>) attributes {dimension_semantics = [#tpu.dimension_semantics<arbitrary>], iteration_bounds = array<i64: 10>, scalar_prefetch = 0 : i64, scratch_operands = 0 : i64, tpu.core_type = #tpu.core_type<tc>, window_params = [{transform_indices = @transform_0, window_bounds = array<i64: 1000, 128>}, {pipeline_mode = #tpu.pipeline_mode<synchronous>, transform_indices = @transform_1, window_bounds = array<i64: 1, 128>}, {pipeline_mode = #tpu.pipeline_mode<synchronous>, transform_indices = @transform_2, window_bounds = array<i64: 128, 128>}, {pipeline_mode = #tpu.pipeline_mode<synchronous>, transform_indices = @transform_3, window_bounds = array<i64: 128, 128>}, {pipeline_mode = #tpu.pipeline_mode<synchronous>, transform_indices = @transform_4, window_bounds = array<i64: 128, 128>}, {transform_indices = @transform_5, window_bounds = array<i64: 1000, 128>}, {transform_indices = @transform_6, window_bounds = array<i64: 1000, 128>}, {transform_indices = @transform_7, window_bounds = array<i64: 1000, 128>}]} {
    %get3A = arith.constant 0 : index
    %get3A_0 = arith.constant 0 : index
    %get3A_1 = vector.load %arg1[%get3A, %get3A_0] : memref<1000x128xf32, #tpu.memory_space<vmem>>, vector<1000x128xf32>
    %get3A_2 = arith.constant 0 : index
    %get3A_3 = arith.constant 0 : index
    %get3A_4 = vector.load %arg4[%get3A_2, %get3A_3] : memref<128x128xf32, #tpu.memory_space<vmem>>, vector<128x128xf32>
    %dot_general3A = arith.constant dense<0.000000e+00> : vector<1000x128xf32>
    %dot_general3A_5 = tpu.matmul %get3A_1, %get3A_4, %dot_general3A {dimension_numbers = #tpu.dot_dimension_numbers<[1], [0], [0], [1], [0, 0, 1, 1], [], []>, transpose_lhs_hint = false} : vector<1000x128xf32>, vector<128x128xf32>, vector<1000x128xf32> -> vector<1000x128xf32>
    %swap3A = arith.constant 0 : index
    %swap3A_6 = arith.constant 0 : index
    %swap3A_7 = vector.load %arg6[%swap3A, %swap3A_6] : memref<1000x128xf32, #tpu.memory_space<vmem>>, vector<1000x128xf32>
    tpu.vector_store %arg6[%swap3A, %swap3A_6], %dot_general3A_5 {strides = array<i32>} : memref<1000x128xf32, #tpu.memory_space<vmem>>, vector<1000x128xf32>,
    %get3A_8 = arith.constant 0 : index
    %get3A_9 = arith.constant 0 : index
    %get3A_10 = vector.load %arg5[%get3A_8, %get3A_9] : memref<128x128xf32, #tpu.memory_space<vmem>>, vector<128x128xf32>
    %dot_general3A_11 = arith.constant dense<0.000000e+00> : vector<1000x128xf32>
    %dot_general3A_12 = tpu.matmul %get3A_1, %get3A_10, %dot_general3A_11 {dimension_numbers = #tpu.dot_dimension_numbers<[1], [0], [0], [1], [0, 0, 1, 1], [], []>, transpose_lhs_hint = false} : vector<1000x128xf32>, vector<128x128xf32>, vector<1000x128xf32> -> vector<1000x128xf32>
    %swap3A_13 = arith.constant 0 : index
    %swap3A_14 = arith.constant 0 : index
    %swap3A_15 = vector.load %arg7[%swap3A_13, %swap3A_14] : memref<1000x128xf32, #tpu.memory_space<vmem>>, vector<1000x128xf32>
    tpu.vector_store %arg7[%swap3A_13, %swap3A_14], %dot_general3A_12 {strides = array<i32>} : memref<1000x128xf32, #tpu.memory_space<vmem>>, vector<1000x128xf32>,
    %get3A_16 = arith.constant 0 : index
    %get3A_17 = arith.constant 0 : index
    %get3A_18 = vector.load %arg2[%get3A_16, %get3A_17] : memref<1x128xf32, #tpu.memory_space<vmem>>, vector<1x128xf32>
    %sub3A = vector.broadcast %get3A_18 : vector<1x128xf32> to vector<1000x128xf32>
    %sub3A_19 = arith.subf %get3A_1, %sub3A : vector<1000x128xf32>
    %get3A_20 = arith.constant 0 : index
    %get3A_21 = arith.constant 0 : index
    %get3A_22 = vector.load %arg3[%get3A_20, %get3A_21] : memref<128x128xf32, #tpu.memory_space<vmem>>, vector<128x128xf32>
    %dot_general3A_23 = arith.constant dense<0.000000e+00> : vector<1000x128xf32>
    %dot_general3A_24 = tpu.matmul %sub3A_19, %get3A_22, %dot_general3A_23 {dimension_numbers = #tpu.dot_dimension_numbers<[1], [0], [0], [1], [0, 0, 1, 1], [], []>, transpose_lhs_hint = false} : vector<1000x128xf32>, vector<128x128xf32>, vector<1000x128xf32> -> vector<1000x128xf32>
    %swap3A_25 = arith.constant 0 : index
    %swap3A_26 = arith.constant 0 : index
    %swap3A_27 = vector.load %arg8[%swap3A_25, %swap3A_26] : memref<1000x128xf32, #tpu.memory_space<vmem>>, vector<1000x128xf32>
    tpu.vector_store %arg8[%swap3A_25, %swap3A_26], %dot_general3A_24 {strides = array<i32>} : memref<1000x128xf32, #tpu.memory_space<vmem>>, vector<1000x128xf32>,
    return
  }
  func.func @transform_0(%arg0: i32) -> (i32, i32) {
    %c0_i32 = arith.constant 0 : i32
    %c0_i32_0 = arith.constant 0 : i32
    return %arg0, %c0_i32 : i32, i32
  }
  func.func @transform_1(%arg0: i32) -> (i32, i32) {
    %c0_i32 = arith.constant 0 : i32
    %c0_i32_0 = arith.constant 0 : i32
    %c0_i32_1 = arith.constant 0 : i32
    return %c0_i32, %c0_i32_0 : i32, i32
  }
  func.func @transform_2(%arg0: i32) -> (i32, i32) {
    %c0_i32 = arith.constant 0 : i32
    %c0_i32_0 = arith.constant 0 : i32
    %c0_i32_1 = arith.constant 0 : i32
    return %c0_i32, %c0_i32_0 : i32, i32
  }
  func.func @transform_3(%arg0: i32) -> (i32, i32) {
    %c0_i32 = arith.constant 0 : i32
    %c0_i32_0 = arith.constant 0 : i32
    %c0_i32_1 = arith.constant 0 : i32
    return %c0_i32, %c0_i32_0 : i32, i32
  }
  func.func @transform_4(%arg0: i32) -> (i32, i32) {
    %c0_i32 = arith.constant 0 : i32
    %c0_i32_0 = arith.constant 0 : i32
    %c0_i32_1 = arith.constant 0 : i32
    return %c0_i32, %c0_i32_0 : i32, i32
  }
  func.func @transform_5(%arg0: i32) -> (i32, i32) {
    %c0_i32 = arith.constant 0 : i32
    %c0_i32_0 = arith.constant 0 : i32
    return %arg0, %c0_i32 : i32, i32
  }
  func.func @transform_6(%arg0: i32) -> (i32, i32) {
    %c0_i32 = arith.constant 0 : i32
    %c0_i32_0 = arith.constant 0 : i32
    return %arg0, %c0_i32 : i32, i32
  }
  func.func @transform_7(%arg0: i32) -> (i32, i32) {
    %c0_i32 = arith.constant 0 : i32
    %c0_i32_0 = arith.constant 0 : i32
    return %arg0, %c0_i32 : i32, i32
  }
}

module attributes {stable_mosaic.version = 14 : i64} {
  func.func @_bn_kernel(%arg0: memref<2x10240x128xf32, #tpu.memory_space<vmem>>, %arg1: memref<10000x128xf32, #tpu.memory_space<vmem>>, %arg2: memref<128xf32, #tpu.memory_space<vmem>>, %arg3: memref<128xf32, #tpu.memory_space<vmem>>, %arg4: memref<128xf32, #tpu.memory_space<vmem>>, %arg5: memref<10000x128xf32, #tpu.memory_space<vmem>>) attributes {dimension_semantics = [], scalar_prefetch = 0 : i64, scratch_operands = 0 : i64, tpu.core_type = #tpu.core_type<tc>} {
    %get3A = arith.constant 0 : index
    %get3A_0 = arith.constant 0 : index
    %get3A_1 = arith.constant 0 : index
    %get3A_2 = vector.load %arg0[%get3A, %get3A_0, %get3A_1] : memref<2x10240x128xf32, #tpu.memory_space<vmem>>, vector<1x10000x128xf32>
    %get3A_3 = vector.shape_cast %get3A_2 : vector<1x10000x128xf32> to vector<10000x128xf32>
    %get3A_4 = arith.constant 1 : index
    %get3A_5 = arith.constant 0 : index
    %get3A_6 = arith.constant 0 : index
    %get3A_7 = vector.load %arg0[%get3A_4, %get3A_5, %get3A_6] : memref<2x10240x128xf32, #tpu.memory_space<vmem>>, vector<1x10000x128xf32>
    %get3A_8 = vector.shape_cast %get3A_7 : vector<1x10000x128xf32> to vector<10000x128xf32>
    %add3A = arith.addf %get3A_3, %get3A_8 : vector<10000x128xf32>
    %get3A_9 = arith.constant 0 : index
    %get3A_10 = arith.constant 0 : index
    %get3A_11 = vector.load %arg1[%get3A_9, %get3A_10] : memref<10000x128xf32, #tpu.memory_space<vmem>>, vector<10000x128xf32>
    %add3A_12 = arith.addf %add3A, %get3A_11 : vector<10000x128xf32>
    %mul3A = arith.constant 0.333333343 : f32
    %mul3A_13 = vector.broadcast %mul3A : f32 to vector<10000x128xf32>
    %mul3A_14 = arith.mulf %add3A_12, %mul3A_13 : vector<10000x128xf32>
    %get3A_15 = arith.constant 0 : index
    %get3A_16 = vector.load %arg2[%get3A_15] : memref<128xf32, #tpu.memory_space<vmem>>, vector<128xf32>
    %broadcast_in_dim3A = vector.shape_cast %get3A_16 : vector<128xf32> to vector<1x128xf32>
    %add3A_17 = vector.broadcast %broadcast_in_dim3A : vector<1x128xf32> to vector<10000x128xf32>
    %add3A_18 = arith.addf %mul3A_14, %add3A_17 : vector<10000x128xf32>
    %reduce_sum3A = arith.constant dense<0.000000e+00> : vector<128xf32>
    %reduce_sum3A_19 = vector.multi_reduction <add>, %add3A_18, %reduce_sum3A [0] : vector<10000x128xf32> to vector<128xf32>
    %broadcast_in_dim3A_20 = vector.shape_cast %reduce_sum3A_19 : vector<128xf32> to vector<1x128xf32>
    %div3A = arith.constant 1.000000e+04 : f32
    %div3A_21 = vector.broadcast %div3A : f32 to vector<1x128xf32>
    %div3A_22 = arith.divf %broadcast_in_dim3A_20, %div3A_21 : vector<1x128xf32>
    %sub3A = vector.broadcast %div3A_22 : vector<1x128xf32> to vector<10000x128xf32>
    %sub3A_23 = arith.subf %add3A_18, %sub3A : vector<10000x128xf32>
    %integer_pow3A = arith.mulf %sub3A_23, %sub3A_23 : vector<10000x128xf32>
    %reduce_sum3A_24 = arith.constant dense<0.000000e+00> : vector<128xf32>
    %reduce_sum3A_25 = vector.multi_reduction <add>, %integer_pow3A, %reduce_sum3A_24 [0] : vector<10000x128xf32> to vector<128xf32>
    %broadcast_in_dim3A_26 = vector.shape_cast %reduce_sum3A_25 : vector<128xf32> to vector<1x128xf32>
    %div3A_27 = arith.constant 1.000000e+04 : f32
    %div3A_28 = vector.broadcast %div3A_27 : f32 to vector<1x128xf32>
    %div3A_29 = arith.divf %broadcast_in_dim3A_26, %div3A_28 : vector<1x128xf32>
    %sub3A_30 = vector.broadcast %div3A_22 : vector<1x128xf32> to vector<10000x128xf32>
    %sub3A_31 = arith.subf %add3A_18, %sub3A_30 : vector<10000x128xf32>
    %add3A_32 = arith.constant 9.99999974E-6 : f32
    %add3A_33 = vector.broadcast %add3A_32 : f32 to vector<1x128xf32>
    %add3A_34 = arith.addf %div3A_29, %add3A_33 : vector<1x128xf32>
    %rsqrt3A = math.rsqrt %add3A_34 : vector<1x128xf32>
    %mul3A_35 = vector.broadcast %rsqrt3A : vector<1x128xf32> to vector<10000x128xf32>
    %mul3A_36 = arith.mulf %sub3A_31, %mul3A_35 : vector<10000x128xf32>
    %get3A_37 = arith.constant 0 : index
    %get3A_38 = vector.load %arg3[%get3A_37] : memref<128xf32, #tpu.memory_space<vmem>>, vector<128xf32>
    %broadcast_in_dim3A_39 = vector.shape_cast %get3A_38 : vector<128xf32> to vector<1x128xf32>
    %mul3A_40 = vector.broadcast %broadcast_in_dim3A_39 : vector<1x128xf32> to vector<10000x128xf32>
    %mul3A_41 = arith.mulf %mul3A_36, %mul3A_40 : vector<10000x128xf32>
    %get3A_42 = arith.constant 0 : index
    %get3A_43 = vector.load %arg4[%get3A_42] : memref<128xf32, #tpu.memory_space<vmem>>, vector<128xf32>
    %broadcast_in_dim3A_44 = vector.shape_cast %get3A_43 : vector<128xf32> to vector<1x128xf32>
    %add3A_45 = vector.broadcast %broadcast_in_dim3A_44 : vector<1x128xf32> to vector<10000x128xf32>
    %add3A_46 = arith.addf %mul3A_41, %add3A_45 : vector<10000x128xf32>
    %swap3A = arith.constant 0 : index
    %swap3A_47 = arith.constant 0 : index
    %swap3A_48 = vector.load %arg5[%swap3A, %swap3A_47] : memref<10000x128xf32, #tpu.memory_space<vmem>>, vector<10000x128xf32>
    tpu.vector_store %arg5[%swap3A, %swap3A_47], %add3A_46 {strides = array<i32>} : memref<10000x128xf32, #tpu.memory_space<vmem>>, vector<10000x128xf32>,
    return
  }
}

</mosaic_0001>

<sc_bundles>
// kernel: kernel.6.cloned.1.call-start
scs
__scs_entry_jumppad:
0x0: {  	(pc) =	sbr.rel $0x88, $3  }
0x1: {  	(tag) =	ssettag $0x0;
	lr =	simm.s32 $0x1  }
0x2: {  	[smem:$0x3F95] =	sst lr;
	_ =	strace $0xD0000000  }
0x3: {  	_ = 	snop  }
0x4: {  	_ = 	snop  }
0x5: {  	_ = 	snop  }
0x6: {  	_ = 	snop  }
0x7: {  	_ = 	snop  }
__scs_overlays_trampoline_lowered:
0x8: {  	[smem:$0x3FA4] =	sst s0  }
0x9: {  	[smem:$0x3FA5] =	sst s1  }
0xa: {  	[smem:$0x3FA6] =	sst s2  }
0xb: {  	[smem:$0x3FA7] =	sst s3  }
0xc: {  	[smem:$0x3FA8] =	sst s4  }
0xd: {  	[smem:$0x3FA9] =	sst s5  }
0xe: {  	[smem:$0x3FAA] =	sst s6  }
0xf: {  	[smem:$0x3FAB] =	sst s7  }
0x10: {  	[smem:$0x3FAC] =	sst s8  }
0x11: {  	[smem:$0x3FAD] =	sst s9;
	s0 =	simm.s32 @!p0 $0x0  }
0x12: {  	s1 =	sld [smem:$0x3F93];
	s0 =	simm.s32 @p0 $0x1  }
0x13: {  	[smem:$0x3FAE] =	sst s0;
	s0 =	simm.s32 @!p1 $0x0  }
0x14: {  	s2 =	sld [smem:$0x3F92];
	s0 =	simm.s32 @p1 $0x1  }
0x15: {  	[smem:$0x3FAF] =	sst s0;
	s0 =	simm.s32 @!p2 $0x0  }
0x16: {  	s3 =	sld [smem:$0x3FDB];
	s0 =	simm.s32 @p2 $0x1  }
0x17: {  	s4 =	simm.s32 $0x1BF5;
	[smem:$0x3FB1] =	sst s0  }
0x18: {  	s0 =	sld [smem:$0x3F94];
	_ =	swait.ge [sflag:s4], $0x0  }
0x19: {  	s7 =	sld [smem:$0x3F95]  }
0x1a: {  	s8 =	sadd.s32 $0xFFFFE003, lr  }
0x1b: {  	s9 =	sadd.s32 $0xFFFFFEF7, lr;
	s5 =	simm.s32 $0xFFFFFFFF;
	p2 =	slt.u32 s8, $0xFFFFF086  }
0x1c: {  	p1 =	slt.u32 s9, $0xF7A;
	s5 =	simm.s32 @!p2 $0x0  }
0x1d: {  	s5 =	simm.s32 @p1 $0x1;
	p0 =	seq.s32 s7, s2  }
0x1e: {  	s7 =	smul.u32 @!p0 $0xF7A, s2;
	p2 =	seq.s32 @!p0 s5, $0x0  }
0x1f: {  	s9 =	smul.u32 $0xF7A, s1;
	s8 =	simm.s32 @!p0 $0x1BF5;
	p2 =	por !p2, p0  }
0x20: {  	[sflag:s8] =	ssyncset.s32 @!p0 $0xFFFFF086;
	s6 =	sadd.s32 @!p0 s3, s7;
	s7 =	simm.s32 @!p0 $0x108  }
0x21: {  	s3 =	sadd.s32 s3, s9;
	s6 =	sadd.s32 @!p0 $0x88, s6;
	s7 =	simm.s32 @p2 $0x1082  }
0x22: {  	[simem:s7], [sflag:s8] =	dma.local @!p0 [hbm:s6], $0xF7A  }
0x23: {  	s9 =	sor.u32 $0xD0000000, s2;
	s6 =	simm.s32 $0x108;
	_ =	swait.ge @!p0 [sflag:s8], $0x0  }
0x24: {  	s3 =	sadd.s32 $0x88, s3;
	s6 =	simm.s32 @!p1 $0x1082;
	[sflag:s4] =	ssyncset.s32 $0xFFFFF086  }
0x25: {  	[simem:s6], [sflag:s4] =	dma.local [hbm:s3], $0xF7A  }
0x26: {  	[smem:$0x3F95] =	sst s1;
	(tag) =	ssettag s2;
	_ =	strace s9  }
0x27: {  	s1 =	sld [smem:$0x3FA5]  }
0x28: {  	s2 =	sld [smem:$0x3FA6]  }
0x29: {  	s4 =	sld [smem:$0x3FA8]  }
0x2a: {  	p0 =	seq.s32 s5, $0x0;
	s5 =	sld [smem:$0x3FA9]  }
0x2b: {  	s6 =	sld [smem:$0x3FAA]  }
0x2c: {  	s7 =	sld [smem:$0x3FAB]  }
0x2d: {  	s3 =	simm.s32 $0x108;
	s8 =	sld [smem:$0x3FAC]  }
0x2e: {  	s3 =	simm.s32 @!p0 $0x1082;
	s9 =	sld [smem:$0x3FAD]  }
0x2f: {  	lr =	sadd.s32 s0, s3;
	s0 =	sld [smem:$0x3FA4]  }
0x30: {  	s3 =	sld [smem:$0x3FA7]  }
0x31: {  	[smem:$0x3FB0] =	sst s10  }
0x32: {  	s10 =	sld [smem:$0x3FAE];
	_ =	sdelay $0x3  }
0x33: {  	p0 =	seq.s32 s10, $0x1;
	s10 =	sld [smem:$0x3FB0];
	_ =	sdelay $0x3  }
0x34: {  	[smem:$0x3FB0] =	sst s10  }
0x35: {  	s10 =	sld [smem:$0x3FAF];
	_ =	sdelay $0x3  }
0x36: {  	p1 =	seq.s32 s10, $0x1;
	s10 =	sld [smem:$0x3FB0];
	_ =	sdelay $0x3  }
0x37: {  	[smem:$0x3FB0] =	sst s10  }
0x38: {  	s10 =	sld [smem:$0x3FB1]  }
0x39: {  	_ = 	snop;
	(pc) =	sbr.ind lr, $3  }
0x3a: {  	_ = 	snop  }
0x3b: {  	_ = 	snop  }
0x3c: {  	p2 =	seq.s32 s10, $0x1;
	s10 =	sld [smem:$0x3FB0]  }
0x3d: {  	_ =	shalt  }
0x3e: {  	_ =	shalt  }
0x3f: {  	_ =	shalt  }
0x40: {  	_ =	shalt  }
0x41: {  	_ =	shalt  }
0x42: {  	_ =	shalt  }
0x43: {  	_ =	shalt  }
0x44: {  	_ =	shalt  }
0x45: {  	_ =	shalt  }
0x46: {  	_ =	shalt  }
0x47: {  	_ =	shalt  }
0x48: {  	_ =	shalt  }
0x49: {  	_ =	shalt  }
0x4a: {  	_ =	shalt  }
0x4b: {  	_ =	shalt  }
0x4c: {  	_ =	shalt  }
0x4d: {  	_ =	shalt  }
0x4e: {  	_ =	shalt  }
0x4f: {  	_ =	shalt  }
0x50: {  	_ =	shalt  }
0x51: {  	_ =	shalt  }
0x52: {  	_ =	shalt  }
0x53: {  	_ =	shalt  }
0x54: {  	_ =	shalt  }
0x55: {  	_ =	shalt  }
0x56: {  	_ =	shalt  }
0x57: {  	_ =	shalt  }
0x58: {  	_ =	shalt  }
0x59: {  	_ =	shalt  }
0x5a: {  	_ =	shalt  }
0x5b: {  	_ =	shalt  }
0x5c: {  	_ =	shalt  }
0x5d: {  	_ =	shalt  }
0x5e: {  	_ =	shalt  }
0x5f: {  	_ =	shalt  }
0x60: {  	_ =	shalt  }
0x61: {  	_ =	shalt  }
0x62: {  	_ =	shalt  }
0x63: {  	_ =	shalt  }
0x64: {  	_ =	shalt  }
0x65: {  	_ =	shalt  }
0x66: {  	_ =	shalt  }
0x67: {  	_ =	shalt  }
0x68: {  	_ =	shalt  }
0x69: {  	_ =	shalt  }
0x6a: {  	_ =	shalt  }
0x6b: {  	_ =	shalt  }
0x6c: {  	_ =	shalt  }
0x6d: {  	_ =	shalt  }
0x6e: {  	_ =	shalt  }
0x6f: {  	_ =	shalt  }
0x70: {  	_ =	shalt  }
0x71: {  	_ =	shalt  }
0x72: {  	_ =	shalt  }
0x73: {  	_ =	shalt  }
0x74: {  	_ =	shalt  }
0x75: {  	_ =	shalt  }
0x76: {  	_ =	shalt  }
0x77: {  	_ =	shalt  }
0x78: {  	_ =	shalt  }
0x79: {  	_ =	shalt  }
0x7a: {  	_ =	shalt  }
0x7b: {  	_ =	shalt  }
0x7c: {  	_ =	shalt  }
0x7d: {  	_ =	shalt  }
0x7e: {  	_ =	shalt  }
0x7f: {  	_ =	shalt  }
0x80: {  	_ =	shalt  }
0x81: {  	_ =	shalt  }
0x82: {  	_ =	shalt  }
0x83: {  	_ =	shalt  }
0x84: {  	_ =	shalt  }
0x85: {  	_ =	shalt  }
0x86: {  	_ =	shalt  }
0x87: {  	_ =	shalt  }
.Lfunc_end0:
.L_simem_size_0:
called_computation_lowered:
.L_overlay_start_0:
0x88: {  	s2 =	sld [smem:$0x3FD9]  }
0x89: {  	s3 =	sld [smem:$0x3FFE];
	_ =	sdelay $0x1  }
0x8a: {  	s1 =	srdreg.scid  }
0x8b: {  	s0 =	sand.u32 $0x1, s1  }
0x8c: {  	s14 =	sshll.u32 s0, $0xA;
	s2 =	sadd.s32 s3, s2  }
0x8d: {  	s2 =	sadd.s32 s2, s14  }
0x8e: {  	[smem:$0x3FBC] =	sst s2  }
0x8f: {  	_ = 	snop  }
0x90: {  	s2 =	sld [smem:$0x3FD0];
	_ =	sdelay $0x2  }
0x91: {  	s15 =	simm.s32 $0xA;
	s4 =	simm.s32 $0x10  }
0x92: {  	[smem:s4], [sflag:s15] =	dma.local [hbm:s2], $0x1  }
0x93: {  	_ =	swait.eq [sflag:s15], $0x1  }
0x94: {  	[sflag:s15] =	ssyncset.done $0x0  }
0x95: {  	[sflag:s15] =	ssyncadd.s32 $0xFFFFFFFF  }
0x96: {  	s16 =	sld [smem:$0x10];
	(tm) =	ssettm $0x1  }
0x97: {  	s17 =	sld [smem:$0x3FFB];
	_ =	sdelay $0x3  }
0x98: {  	_ =	strace s17  }
0x99: {  	s3 =	sld [smem:$0x3FFC];
	_ =	sdelay $0x3  }
0x9a: {  	_ =	strace s3  }
0x9b: {  	s3 =	sld [smem:$0x3FFD];
	_ =	sdelay $0x3  }
0x9c: {  	_ =	strace s3  }
0x9d: {  	_ =	strace $0x8FFFFFFF  }
0x9e: {  	s18 =	sld [smem:$0x3FDB];
	_ =	sdelay $0x1  }
0x9f: {  	s19 =	simm.s32 $_scs_section_size  }
0xa0: {  	s5 =	simm.s32 $_size__tile_overlayer_lowered;
	s6 =	simm.s32 $_tile_overlayer_lowered  }
0xa1: {  	s22 =	simm.s32 $0x1BFF;
	s21 =	sshll.u32 s6, $0x1;
	s3 =	sadd.s32 s19, s18  }
0xa2: {  	s7 =	simm.s32 $0x0;
	s20 =	sshll.u32 s5, $0x1;
	s5 =	sadd.s32 s21, s3  }
0xa3: {  	[timem:s7], [sflag:s22] =	dma.local [hbm:s5], s20  }
0xa4: {  	_ =	swait.ge [sflag:s22], s20  }
0xa5: {  	s4 =	ssub.s32 $0x0, s20;
	[sflag:s22] =	ssyncset.done $0x0  }
0xa6: {  	[sflag:s22] =	ssyncadd.s32 s4;
	_ =	sdelay $0x1  }
0xa7: {  	s23 =	simm.s32 $0x1B8B  }
0xa8: {  	_ =	swait.ge [sflag:s23], $0x1  }
0xa9: {  	[sflag:s23] =	ssyncset.done $0x0  }
0xaa: {  	s25 =	simm.s32 $0x1B8E;
	s24 =	sld [smem:$0x3FFE];
	[sflag:s23] =	ssyncadd.s32 $0xFFFFFFFF  }
0xab: {  	s26 =	simm.s32 $execute0_lowered;
	[smem:$0x3FD2] =	sst s25  }
0xac: {  	s5 =	sshll.u32 s26, $0x1;
	_ =	strace $0x80000046;
	[dreg:$0x1] =	wrdreg $0xFFFFFFFF  }
0xad: {  	s28 =	simm.s32 $_size_execute0_lowered;
	s3 =	sadd.s32 s3, s5;
	[dreg:$0x0] =	wrdreg $0x0  }
0xae: {  	s5 =	sshll.u32 s28, $0x1;
	[dreg:$0x2] =	wrdreg s3  }
0xaf: {  	[dreg:$0x3] =	wrdreg s5  }
0xb0: {  	[dreg:$0x4] =	wrdreg $0xC0  }
0xb1: {  	_ =	task [dreg:s7], $0x5FFFF  }
0xb2: {  	[dreg:$0x1] =	wrdreg $0xFFFFFFFF  }
0xb3: {  	[dreg:$0x0] =	wrdreg $0x60  }
0xb4: {  	[dreg:$0x2] =	wrdreg s24  }
0xb5: {  	[dreg:$0x3] =	wrdreg s16  }
0xb6: {  	[dreg:$0x4] =	wrdreg $0xA3000  }
0xb7: {  	[dreg:$0x5] =	wrdreg $0xB5800  }
0xb8: {  	[dreg:$0x6] =	wrdreg $0xB3000  }
0xb9: {  	[dreg:$0x7] =	wrdreg $0x9  }
0xba: {  	_ =	task.clear_ibuf [dreg:s7], $0x8FFFF;
	_ =	strace $0x90000046  }
0xbb: {  	s29 =	simm.s32 $0x9;
	_ =	strace $0x80000048  }
0xbc: {  	_ =	swait.ge [sflag:s29], $0x1  }
0xbd: {  	[sflag:s29] =	ssyncadd.s32 $0xFFFFFFFF  }
0xbe: {  	_ =	strace $0x90000048  }
0xbf: {  	_ =	sfence  }
0xc0: {  	s30 =	sld [smem:$0x0];
	_ =	sdelay $0x2  }
0xc1: {  	s31 =	sshll.u32 s1, $0xD;
	s1 =	sshrl.u32 s1, $0x2  }
0xc2: {  	s3 =	sand.u32 $0x4000, s31;
	s1 =	sadd.s32 s1, s30  }
0xc3: {  	s0 =	sor.u32 s3, s0;
	s1 =	sshll.u32 s1, $0x11  }
0xc4: {  	s0 =	sor.u32 s1, s0  }
0xc5: {  	s0 =	sadd.s32 $0x8F2B, s0  }
0xc6: {  	[sflag:s0] =	ssyncadd.remote.s32 $0x1  }
0xc7: {  	_ =	sfence.sel $0xFFFF  }
0xc8: {  	[dreg:$0x0] =	wrdreg $0xFFFFFFFF;
	(pc) =	sbr.abs _section_cstart, $3  }
0xc9: {  	[dreg:$0x1] =	wrdreg $0xFFFFFFFF  }
0xca: {  	_ =	task.clear_ibuf [dreg:s7], $0x2FFFF;
	_ =	strace $0x9FFFFFFF  }
0xcb: {  	(tm) =	ssettm $0x7FFFFFFF  }
tec
execute0_lowered:
.L_overlay_start_1:
0x0: {  	(tag) =	ssettag $0x1  }
0x1: {  	s0 =	rddreg [dreg:$0x0]  }
0x2: {  	s9 =	rddreg [dreg:$0x1]  }
0x3: {  	s2 =	rddreg [dreg:$0x2]  }
0x4: {  	s3 =	rddreg [dreg:$0x3]  }
0x5: {  	s4 =	rddreg [dreg:$0x4];
	s13 =	stileid.u32  }
0x6: {  	s1 =	srdreg.scid;
	s19 =	simm.s32 $0x0;
	s6 =	smul.u32 $0x14000, s13  }
0x7: {  	s1 =	sand.u32 $0x1, s1;
	[smem:$0x7FF] =	sst s19;
	s12 =	smul.u32 $0x50000, s13  }
0x8: {  	s7 =	sadd.s32 $0x22000, s0;
	s8 =	sshll.u32 s13, $0x9;
	s31 =	smul.u32 $0xA00, s13  }
0x9: {  	s25 =	sadd.s32 $0x12000, s0;
	s26 =	sadd.s32 $0x2000, s0;
	s18 =	smul.u32 $0x5000, s13  }
0xa: {  	s30 =	sshll.u32 s13, $0xC;
	s5 =	smul.u32 $0x140000, s1;
	_ =	strace $0x80000047  }
0xb: {  	s10 =	sadd.s32 s8, s0;
	s24 =	ssub.s32 $0x2, s1;
	[dreg:$0x7] =	wrdreg s25  }
0xc: {  	[dreg:$0x8] =	wrdreg s26;
	s29 =	sshll.u32 s1, $0xD;
	s8 =	sshll.u32 s13, $0x6  }
0xd: {  	s15 =	smul.u32 $0x50000, s1;
	s20 =	sshll.u32 s1, $0xF;
	s13 =	sshll.u32 s13, $0xB  }
0xe: {  	s12 =	sshrl.u32 s12, $0x2;
	s8 =	sor.u32 $0x1C01, s8;
	s5 =	sadd.s32 s6, s5  }
0xf: {  	s6 =	sadd.s32 s29, s10;
	s21 =	sadd.s32 s12, s3;
	[dreg:$0xa] =	wrdreg s8  }
0x10: {  	s1 =	smul.u32 $0x2710, s1;
	s6 =	sadd.s32 $0x70200, s6;
	[dreg:$0xb] =	wrdreg s21  }
0x11: {  	s11 =	sshrl.u32 s24, $0x1;
	s14 =	sadd.s32 $0x2800, s21;
	[dreg:$0x9] =	wrdreg s6  }
0x12: {  	s20 =	sor.u32 s13, s20;
	s16 =	sadd.s32 $0x5000, s21;
	[dreg:$0xd] =	wrdreg s14  }
0x13: {  	s28 =	ssub.s32 s24, s11;
	s17 =	sadd.s32 $0x7800, s21;
	[dreg:$0xe] =	wrdreg s16  }
0x14: {  	s11 =	sadd.s32 s30, s2;
	s12 =	sadd.s32 $0xA000, s21;
	[dreg:$0xf] =	wrdreg s17  }
0x15: {  	s10 =	sshrl.u32 s31, $0x2;
	s22 =	sadd.s32 $0xC800, s21;
	[dreg:$0x10] =	wrdreg s12  }
0x16: {  	s18 =	sadd.s32 s18, s15;
	s25 =	sshrl.u32 s11, $0x3;
	[dreg:$0x11] =	wrdreg s22  }
0x17: {  	s15 =	simm.s32 $0x2800;
	s26 =	sadd.s32 $0xF000, s21;
	[dreg:$0x15] =	wrdreg s25  }
0x18: {  	s5 =	sshrl.u32 s5, $0x3;
	s23 =	sadd.s32 s10, s4;
	[dreg:$0x16] =	wrdreg s26  }
0x19: {  	s0 =	sadd.s32 s5, s0;
	s5 =	smax.u32 s28, $0x1;
	[dreg:$0xc] =	wrdreg s23  }
0x1a: {  	s24 =	sshrl.u32 s18, $0x3;
	s28 =	sadd.s32 $0x11800, s21;
	[dreg:$0x13] =	wrdreg s5  }
0x1b: {  	s10 =	simm.s32 $0x50;
	s0 =	sadd.s32 $0x74200, s0;
	[dreg:$0x17] =	wrdreg s28  }
0x1c: {  	s14 =	simm.s32 $0xA000;
	[dreg:$0x12] =	wrdreg s0;
	s0 =	sadd.s32 s9, s24  }
0x1d: {  	s16 =	simm.s32 $0x80;
	s29 =	sadd.s32 $0x200, s0;
	[dreg:$0x14] =	wrdreg s0  }
0x1e: {  	s17 =	simm.s32 $0x400;
	s30 =	sadd.s32 $0x400, s0;
	[dreg:$0x18] =	wrdreg s29  }
0x1f: {  	s22 =	simm.s32 $0x7800;
	s31 =	sadd.s32 $0x600, s0;
	[dreg:$0x19] =	wrdreg s30  }
0x20: {  	s5 =	simm.s32 $0x5000;
	s0 =	sadd.s32 $0x800, s0;
	[dreg:$0x1a] =	wrdreg s31  }
0x21: {  	v1 =	vimm.f32 $0.0e+00;
	v2 =	vimm.f32 $1.000000000e+00;
	v0 =	vmov s1;
	s24 =	simm.s32 $0x2000;
	[dreg:$0x1b] =	wrdreg s0;
	s0 =	simm.s32 $0x1  }
.LBB2_1:
0x22: {  	s1 =	rddreg [dreg:$0x9]  }
0x23: {  	s6 =	rddreg [dreg:$0x15]  }
0x24: {  	[spmem:s6], [sflag:s8] =	dma.local [hbm:s1], $0x200  }
0x25: {  	_ =	swait.ge [sflag:s0], $0x200  }
0x26: {  	[sflag:s0] =	ssyncset.done $0x0  }
0x27: {  	[sflag:s0] =	ssyncadd.s32 $0xFFFFFE00  }
0x28: {  	[tilespmem:$0xA080] =	vst v1  }
0x29: {  	[tilespmem:$0xA090] =	vst v1  }
0x2a: {  	[tilespmem:$0xA0A0] =	vst v1  }
0x2b: {  	[tilespmem:$0xA0B0] =	vst v1  }
0x2c: {  	[tilespmem:$0xA0C0] =	vst v1  }
0x2d: {  	[tilespmem:$0xA0D0] =	vst v1  }
0x2e: {  	[tilespmem:$0xA0E0] =	vst v1  }
0x2f: {  	[tilespmem:$0xA0F0] =	vst v1  }
0x30: {  	[tilespmem:$0xA100] =	vst v1  }
0x31: {  	[tilespmem:$0xA110] =	vst v1  }
0x32: {  	[tilespmem:$0xA120] =	vst v1  }
0x33: {  	[tilespmem:$0xA130] =	vst v1  }
0x34: {  	[tilespmem:$0xA140] =	vst v1  }
0x35: {  	[tilespmem:$0xA150] =	vst v1  }
0x36: {  	[tilespmem:$0xA160] =	vst v1  }
0x37: {  	[tilespmem:$0xA170] =	vst v1  }
0x38: {  	[tilespmem:$0xA180] =	vst v1  }
0x39: {  	[tilespmem:$0xA190] =	vst v1  }
0x3a: {  	[tilespmem:$0xA1A0] =	vst v1  }
0x3b: {  	[tilespmem:$0xA1B0] =	vst v1  }
0x3c: {  	[tilespmem:$0xA1C0] =	vst v1  }
0x3d: {  	[tilespmem:$0xA1D0] =	vst v1  }
0x3e: {  	[tilespmem:$0xA1E0] =	vst v1  }
0x3f: {  	[tilespmem:$0xA1F0] =	vst v1  }
0x40: {  	[tilespmem:$0xA200] =	vst v1  }
0x41: {  	[tilespmem:$0xA210] =	vst v1  }
0x42: {  	[tilespmem:$0xA220] =	vst v1  }
0x43: {  	[tilespmem:$0xA230] =	vst v1  }
0x44: {  	[tilespmem:$0xA240] =	vst v1  }
0x45: {  	[tilespmem:$0xA250] =	vst v1  }
0x46: {  	[tilespmem:$0xA260] =	vst v1  }
0x47: {  	[tilespmem:$0xA270] =	vst v1  }
0x48: {  	[tilespmem:$0xA280] =	vst v1  }
0x49: {  	[tilespmem:$0xA290] =	vst v1  }
0x4a: {  	[tilespmem:$0xA2A0] =	vst v1  }
0x4b: {  	[tilespmem:$0xA2B0] =	vst v1  }
0x4c: {  	[tilespmem:$0xA2C0] =	vst v1  }
0x4d: {  	[tilespmem:$0xA2D0] =	vst v1  }
0x4e: {  	[tilespmem:$0xA2E0] =	vst v1  }
0x4f: {  	[tilespmem:$0xA2F0] =	vst v1  }
0x50: {  	[tilespmem:$0xA000] =	vst v2  }
0x51: {  	[tilespmem:$0xA010] =	vst v2  }
0x52: {  	[tilespmem:$0xA020] =	vst v2  }
0x53: {  	[tilespmem:$0xA030] =	vst v2  }
0x54: {  	[tilespmem:$0xA040] =	vst v2  }
0x55: {  	[tilespmem:$0xA050] =	vst v2  }
0x56: {  	s1 =	simm.s32 $0x0;
	s6 =	simm.s32 $0x200;
	[tilespmem:$0xA060] =	vst v2  }
.LBB2_2:
0x57: {  	p0 =	sne.s32 s6, $0x9E00;
	[tilespmem:s1+$0x5070] =	vst v1  }
0x58: {  	[tilespmem:s1+$0x5000] =	vst v1  }
0x59: {  	[tilespmem:s1+$0x5010] =	vst v1  }
.Ltmp0:
0x5a: {  	[tilespmem:s1+$0x5020] =	vst v1;
	(pc) =	sbr.rel @p0 .LBB2_2-.Ltmp0, $4  }
0x5b: {  	[tilespmem:s1+$0x5030] =	vst v1  }
0x5c: {  	[tilespmem:s1+$0x5040] =	vst v1  }
0x5d: {  	[tilespmem:s1+$0x5050] =	vst v1  }
0x5e: {  	[tilespmem:s1+$0x5060] =	vst v1;
	s1 =	sshra.s32 s6, $0x2;
	s6 =	sadd.s32 $0x200, s6  }
0x5f: {  	[tilespmem:s1+$0x5070] =	vst v1  }
0x60: {  	[tilespmem:s1+$0x5000] =	vst v1  }
0x61: {  	[tilespmem:s1+$0x5010] =	vst v1  }
0x62: {  	[tilespmem:s1+$0x5020] =	vst v1  }
0x63: {  	[tilespmem:s1+$0x5030] =	vst v1  }
0x64: {  	[tilespmem:s1+$0x5040] =	vst v1  }
0x65: {  	[tilespmem:s1+$0x5050] =	vst v1  }
0x66: {  	[tilespmem:s1+$0x5060] =	vst v1;
	s11 =	simm.s32 $0xA080  }
0x67: {  	[spmem:s23] =	stream.linear.scatter [tilespmem:s11], [sflag:$0x1], $0x280, $0x38;
	[tilespmem:$0x1F580] =	vst v63  }
0x68: {  	_ =	swait.ge [sflag:s0], $0x280  }
0x69: {  	[sflag:s0] =	ssyncset.done $0x0  }
0x6a: {  	[sflag:s0] =	ssyncadd.s32 $0xFFFFFD80  }
0x6b: {  	[spmem:s21] =	stream.linear.scatter [tilespmem:s5], [sflag:$0x1], $0x2800, $0x38;
	[tilespmem:$0x1F580] =	vst v63  }
0x6c: {  	_ =	swait.ge [sflag:s0], $0x2800  }
0x6d: {  	[sflag:s0] =	ssyncset.done $0x0  }
0x6e: {  	s12 =	rddreg [dreg:$0xd];
	[sflag:s0] =	ssyncadd.s32 $0xFFFFD800  }
0x6f: {  	[spmem:s12] =	stream.linear.scatter [tilespmem:s5], [sflag:$0x1], $0x2800, $0x38;
	[tilespmem:$0x1F580] =	vst v63  }
0x70: {  	_ =	swait.ge [sflag:s0], $0x2800  }
0x71: {  	[sflag:s0] =	ssyncset.done $0x0  }
0x72: {  	s13 =	rddreg [dreg:$0xe];
	[sflag:s0] =	ssyncadd.s32 $0xFFFFD800  }
0x73: {  	[spmem:s13] =	stream.linear.scatter [tilespmem:s5], [sflag:$0x1], $0x2800, $0x38;
	[tilespmem:$0x1F580] =	vst v63  }
0x74: {  	_ =	swait.ge [sflag:s0], $0x2800  }
0x75: {  	[sflag:s0] =	ssyncset.done $0x0  }
0x76: {  	s21 =	rddreg [dreg:$0xf];
	[sflag:s0] =	ssyncadd.s32 $0xFFFFD800  }
0x77: {  	[spmem:s21] =	stream.linear.scatter [tilespmem:s5], [sflag:$0x1], $0x2800, $0x38;
	[tilespmem:$0x1F580] =	vst v63  }
0x78: {  	_ =	swait.ge [sflag:s0], $0x2800  }
0x79: {  	[sflag:s0] =	ssyncset.done $0x0  }
0x7a: {  	s25 =	rddreg [dreg:$0x10];
	[sflag:s0] =	ssyncadd.s32 $0xFFFFD800  }
0x7b: {  	[spmem:s25] =	stream.linear.scatter [tilespmem:s5], [sflag:$0x1], $0x2800, $0x38;
	[tilespmem:$0x1F580] =	vst v63  }
0x7c: {  	_ =	swait.ge [sflag:s0], $0x2800  }
0x7d: {  	[sflag:s0] =	ssyncset.done $0x0  }
0x7e: {  	s26 =	rddreg [dreg:$0x11];
	[sflag:s0] =	ssyncadd.s32 $0xFFFFD800  }
0x7f: {  	[spmem:s26] =	stream.linear.scatter [tilespmem:s5], [sflag:$0x1], $0x2800, $0x38;
	[tilespmem:$0x1F580] =	vst v63  }
0x80: {  	_ =	swait.ge [sflag:s0], $0x2800  }
0x81: {  	[sflag:s0] =	ssyncset.done $0x0  }
0x82: {  	s28 =	rddreg [dreg:$0x16];
	[sflag:s0] =	ssyncadd.s32 $0xFFFFD800  }
0x83: {  	[spmem:s28] =	stream.linear.scatter [tilespmem:s5], [sflag:$0x1], $0x2800, $0x38;
	[tilespmem:$0x1F580] =	vst v63  }
0x84: {  	_ =	swait.ge [sflag:s0], $0x2800  }
0x85: {  	[sflag:s0] =	ssyncset.done $0x0  }
0x86: {  	s29 =	rddreg [dreg:$0x17];
	[sflag:s0] =	ssyncadd.s32 $0xFFFFD800  }
0x87: {  	[spmem:s29] =	stream.linear.scatter [tilespmem:s5], [sflag:$0x1], $0x2800, $0x38;
	[tilespmem:$0x1F580] =	vst v63  }
0x88: {  	_ =	swait.ge [sflag:s0], $0x2800  }
0x89: {  	[sflag:s0] =	ssyncset.done $0x0  }
0x8a: {  	[sflag:s0] =	ssyncadd.s32 $0xFFFFD800  }
0x8b: {  	[bflag:$0x0] =	sbarrier.arrive $0xFFFF  }
0x8c: {  	s30 =	simm.s32 $0x0;
	s6 =	rddreg [dreg:$0x14]  }
0x8d: {  	[tilespmem:s30], [sflag:$0x1] =	stream.linear.gather [hbm4b:s6+s30], $0xC80, $0x38;
	[tilespmem:$0x1F580] =	vst v63  }
0x8e: {  	_ =	swait.ge [sflag:s0], $0xC80  }
0x8f: {  	[sflag:s0] =	ssyncset.done $0x0  }
0x90: {  	s31 =	simm.s32 $0x0;
	[sflag:s0] =	ssyncadd.s32 $0xFFFFF380  }
0x91: {  	[spmem:s4] =	stream.indirect.scatter.add.f32 [tilespmem:s14], [sflag:$0x1], $0x1, s31, s10, $0xb8;
	[tilespmem:$0x1F580] =	vst v63  }
0x92: {  	_ =	swait.ge [sflag:s0], $0x50  }
0x93: {  	s1 =	simm.s32 $0x200;
	[sflag:s0] =	ssyncset.done $0x0  }
.LBB2_4:
0x94: {  	s6 =	sshra.s32 s1, $0x2;
	[sflag:s0] =	ssyncadd.s32 $0xFFFFFFB0;
	p0 =	sne.s32 s1, $0x3000  }
0x95: {  	[spmem:s4] =	stream.indirect.scatter.add.f32 [tilespmem:s14], [sflag:$0x1], $0x1, s6, s10, $0xb8;
	[tilespmem:$0x1F580] =	vst v63  }
.Ltmp1:
0x96: {  	_ = 	snop;
	(pc) =	sbr.rel @p0 .LBB2_4-.Ltmp1, $4  }
0x97: {  	_ = 	snop  }
0x98: {  	s1 =	sadd.s32 $0x200, s1  }
0x99: {  	_ =	swait.ge [sflag:s0], $0x50  }
0x9a: {  	[sflag:s0] =	ssyncset.done $0x0  }
0x9b: {  	[sflag:s0] =	ssyncadd.s32 $0xFFFFFFB0;
	s1 =	simm.s32 $0x0;
	s6 =	rddreg [dreg:$0x18]  }
0x9c: {  	[tilespmem:s1], [sflag:$0x1] =	stream.linear.gather [hbm4b:s6+s1], $0xC80, $0x38;
	[tilespmem:$0x1F580] =	vst v63  }
0x9d: {  	_ =	swait.ge [sflag:s0], $0xC80  }
0x9e: {  	[sflag:s0] =	ssyncset.done $0x0  }
0x9f: {  	s31 =	simm.s32 $0x0;
	[sflag:s0] =	ssyncadd.s32 $0xFFFFF380  }
0xa0: {  	[spmem:s4] =	stream.indirect.scatter.add.f32 [tilespmem:s14], [sflag:$0x1], $0x1, s31, s10, $0xb8;
	[tilespmem:$0x1F580] =	vst v63  }
0xa1: {  	_ =	swait.ge [sflag:s0], $0x50  }
0xa2: {  	s1 =	simm.s32 $0x200;
	[sflag:s0] =	ssyncset.done $0x0  }
.LBB2_6:
0xa3: {  	s6 =	sshra.s32 s1, $0x2;
	[sflag:s0] =	ssyncadd.s32 $0xFFFFFFB0;
	p0 =	sne.s32 s1, $0x3000  }
0xa4: {  	[spmem:s4] =	stream.indirect.scatter.add.f32 [tilespmem:s14], [sflag:$0x1], $0x1, s6, s10, $0xb8;
	[tilespmem:$0x1F580] =	vst v63  }
.Ltmp2:
0xa5: {  	_ = 	snop;
	(pc) =	sbr.rel @p0 .LBB2_6-.Ltmp2, $4  }
0xa6: {  	_ = 	snop  }
0xa7: {  	s1 =	sadd.s32 $0x200, s1  }
0xa8: {  	_ =	swait.ge [sflag:s0], $0x50  }
0xa9: {  	[sflag:s0] =	ssyncset.done $0x0  }
0xaa: {  	[sflag:s0] =	ssyncadd.s32 $0xFFFFFFB0;
	s1 =	simm.s32 $0x0;
	s6 =	rddreg [dreg:$0x19]  }
0xab: {  	[tilespmem:s1], [sflag:$0x1] =	stream.linear.gather [hbm4b:s6+s1], $0xC80, $0x38;
	[tilespmem:$0x1F580] =	vst v63  }
0xac: {  	_ =	swait.ge [sflag:s0], $0xC80  }
0xad: {  	[sflag:s0] =	ssyncset.done $0x0  }
0xae: {  	s31 =	simm.s32 $0x0;
	[sflag:s0] =	ssyncadd.s32 $0xFFFFF380  }
0xaf: {  	[spmem:s4] =	stream.indirect.scatter.add.f32 [tilespmem:s14], [sflag:$0x1], $0x1, s31, s10, $0xb8;
	[tilespmem:$0x1F580] =	vst v63  }
0xb0: {  	_ =	swait.ge [sflag:s0], $0x50  }
0xb1: {  	s1 =	simm.s32 $0x200;
	[sflag:s0] =	ssyncset.done $0x0  }
.LBB2_8:
0xb2: {  	s6 =	sshra.s32 s1, $0x2;
	[sflag:s0] =	ssyncadd.s32 $0xFFFFFFB0;
	p0 =	sne.s32 s1, $0x3000  }
0xb3: {  	[spmem:s4] =	stream.indirect.scatter.add.f32 [tilespmem:s14], [sflag:$0x1], $0x1, s6, s10, $0xb8;
	[tilespmem:$0x1F580] =	vst v63  }
.Ltmp3:
0xb4: {  	_ = 	snop;
	(pc) =	sbr.rel @p0 .LBB2_8-.Ltmp3, $4  }
0xb5: {  	_ = 	snop  }
0xb6: {  	s1 =	sadd.s32 $0x200, s1  }
0xb7: {  	_ =	swait.ge [sflag:s0], $0x50  }
0xb8: {  	[sflag:s0] =	ssyncset.done $0x0  }
0xb9: {  	[sflag:s0] =	ssyncadd.s32 $0xFFFFFFB0;
	s1 =	simm.s32 $0x0;
	s6 =	rddreg [dreg:$0x1a]  }
0xba: {  	[tilespmem:s1], [sflag:$0x1] =	stream.linear.gather [hbm4b:s6+s1], $0xC80, $0x38;
	[tilespmem:$0x1F580] =	vst v63  }
0xbb: {  	_ =	swait.ge [sflag:s0], $0xC80  }
0xbc: {  	[sflag:s0] =	ssyncset.done $0x0  }
0xbd: {  	s31 =	simm.s32 $0x0;
	[sflag:s0] =	ssyncadd.s32 $0xFFFFF380  }
0xbe: {  	[spmem:s4] =	stream.indirect.scatter.add.f32 [tilespmem:s14], [sflag:$0x1], $0x1, s31, s10, $0xb8;
	[tilespmem:$0x1F580] =	vst v63  }
0xbf: {  	_ =	swait.ge [sflag:s0], $0x50  }
0xc0: {  	s1 =	simm.s32 $0x200;
	[sflag:s0] =	ssyncset.done $0x0  }
.LBB2_10:
0xc1: {  	s6 =	sshra.s32 s1, $0x2;
	[sflag:s0] =	ssyncadd.s32 $0xFFFFFFB0;
	p0 =	sne.s32 s1, $0x3000  }
0xc2: {  	[spmem:s4] =	stream.indirect.scatter.add.f32 [tilespmem:s14], [sflag:$0x1], $0x1, s6, s10, $0xb8;
	[tilespmem:$0x1F580] =	vst v63  }
.Ltmp4:
0xc3: {  	_ = 	snop;
	(pc) =	sbr.rel @p0 .LBB2_10-.Ltmp4, $4  }
0xc4: {  	_ = 	snop  }
0xc5: {  	s1 =	sadd.s32 $0x200, s1  }
0xc6: {  	_ =	swait.ge [sflag:s0], $0x50  }
0xc7: {  	[sflag:s0] =	ssyncset.done $0x0  }
0xc8: {  	[sflag:s0] =	ssyncadd.s32 $0xFFFFFFB0;
	s1 =	simm.s32 $0x0;
	s6 =	rddreg [dreg:$0x1b]  }
0xc9: {  	[tilespmem:s1], [sflag:$0x1] =	stream.linear.gather [hbm4b:s6+s1], $0xC80, $0x38;
	[tilespmem:$0x1F580] =	vst v63  }
0xca: {  	_ =	swait.ge [sflag:s0], $0xC80  }
0xcb: {  	[sflag:s0] =	ssyncset.done $0x0  }
0xcc: {  	s31 =	simm.s32 $0x0;
	[sflag:s0] =	ssyncadd.s32 $0xFFFFF380  }
0xcd: {  	[spmem:s4] =	stream.indirect.scatter.add.f32 [tilespmem:s14], [sflag:$0x1], $0x1, s31, s10, $0xb8;
	[tilespmem:$0x1F580] =	vst v63  }
0xce: {  	_ =	swait.ge [sflag:s0], $0x50  }
0xcf: {  	s1 =	simm.s32 $0x200;
	[sflag:s0] =	ssyncset.done $0x0  }
.LBB2_12:
0xd0: {  	s6 =	sshra.s32 s1, $0x2;
	[sflag:s0] =	ssyncadd.s32 $0xFFFFFFB0;
	p0 =	sne.s32 s1, $0x3000  }
0xd1: {  	[spmem:s4] =	stream.indirect.scatter.add.f32 [tilespmem:s14], [sflag:$0x1], $0x1, s6, s10, $0xb8;
	[tilespmem:$0x1F580] =	vst v63  }
.Ltmp5:
0xd2: {  	_ = 	snop;
	(pc) =	sbr.rel @p0 .LBB2_12-.Ltmp5, $4  }
0xd3: {  	_ = 	snop  }
0xd4: {  	s1 =	sadd.s32 $0x200, s1  }
0xd5: {  	_ =	swait.ge [sflag:s0], $0x50  }
0xd6: {  	[sflag:s0] =	ssyncset.done $0x0  }
0xd7: {  	[dreg:$0x6] =	wrdreg s19;
	[sflag:s0] =	ssyncadd.s32 $0xFFFFFFB0  }
0xd8: {  	[bflag:$0x0] =	sbarrier.arrive $0xFFFF  }
0xd9: {  	[tilespmem:s15], [sflag:$0x1] =	stream.linear.gather [spmem:s23], $0x280, $0x38;
	[tilespmem:$0x1F580] =	vst v63  }
0xda: {  	_ =	swait.ge [sflag:s0], $0x280  }
0xdb: {  	[sflag:s0] =	ssyncset.done $0x0  }
0xdc: {  	s25 =	simm.s32 $0x0;
	s26 =	simm.s32 $0x40;
	[sflag:s0] =	ssyncadd.s32 $0xFFFFFD80  }
.LBB2_14:
0xdd: {  	p0 =	sne.s32 s26, $0x9C0;
	v3 =	vld [tilespmem:s25+$0x2800];
	_ =	sdelay $0x4  }
0xde: {  	v4 =	vadd.f32 $1.000000000e+00, v3;
	_ =	sdelay $0x1  }
0xdf: {  	v4 =	vmul.f32 $5.000000000e-01, v4;
	_ =	sdelay $0x1  }
0xe0: {  	(erf) = vrcp.f32 v4;
	_ =	sdelay $0x8  }
0xe1: {  	v5 =	vpop (erf)  }
0xe2: {  	v5 =	vmul.f32 v5, v3;
	_ =	sdelay $0x1  }
0xe3: {  	v4 =	vadd.f32 v5, v4;
	_ =	sdelay $0x1  }
0xe4: {  	v4 =	vmul.f32 $5.000000000e-01, v4;
	_ =	sdelay $0x1  }
0xe5: {  	(erf) = vrcp.f32 v4;
	_ =	sdelay $0x8  }
0xe6: {  	v5 =	vpop (erf)  }
0xe7: {  	v5 =	vmul.f32 v5, v3;
	_ =	sdelay $0x1  }
0xe8: {  	v4 =	vadd.f32 v5, v4;
	_ =	sdelay $0x1  }
0xe9: {  	v4 =	vmul.f32 $5.000000000e-01, v4;
	_ =	sdelay $0x1  }
0xea: {  	(erf) = vrcp.f32 v4;
	_ =	sdelay $0x8  }
0xeb: {  	v5 =	vpop (erf)  }
0xec: {  	v5 =	vmul.f32 v5, v3;
	_ =	sdelay $0x1  }
0xed: {  	v4 =	vadd.f32 v5, v4;
	_ =	sdelay $0x1  }
0xee: {  	v4 =	vmul.f32 $5.000000000e-01, v4;
	_ =	sdelay $0x1  }
0xef: {  	(erf) = vrcp.f32 v4;
	_ =	sdelay $0x8  }
0xf0: {  	v5 =	vpop (erf)  }
0xf1: {  	v5 =	vmul.f32 v5, v3;
	_ =	sdelay $0x1  }
0xf2: {  	v4 =	vadd.f32 v5, v4;
	_ =	sdelay $0x1  }
0xf3: {  	v4 =	vmul.f32 $5.000000000e-01, v4;
	_ =	sdelay $0x1  }
0xf4: {  	(erf) = vrcp.f32 v4;
	_ =	sdelay $0x8  }
0xf5: {  	v5 =	vpop (erf)  }
0xf6: {  	v5 =	vmul.f32 v5, v3;
	_ =	sdelay $0x1  }
0xf7: {  	v4 =	vadd.f32 v5, v4;
	_ =	sdelay $0x1  }
0xf8: {  	v4 =	vmul.f32 $5.000000000e-01, v4;
	_ =	sdelay $0x1  }
0xf9: {  	(erf) = vrcp.f32 v4;
	_ =	sdelay $0x8  }
0xfa: {  	v5 =	vpop (erf)  }
0xfb: {  	v5 =	vmul.f32 v5, v3;
	_ =	sdelay $0x1  }
0xfc: {  	v4 =	vadd.f32 v5, v4;
	_ =	sdelay $0x1  }
0xfd: {  	v4 =	vmul.f32 $5.000000000e-01, v4;
	_ =	sdelay $0x1  }
0xfe: {  	(erf) = vrcp.f32 v4;
	_ =	sdelay $0x8  }
0xff: {  	v5 =	vpop (erf)  }
0x100: {  	v5 =	vmul.f32 v5, v3;
	_ =	sdelay $0x1  }
0x101: {  	v4 =	vadd.f32 v5, v4;
	_ =	sdelay $0x1  }
0x102: {  	v4 =	vmul.f32 $5.000000000e-01, v4;
	_ =	sdelay $0x1  }
0x103: {  	(erf) = vrcp.f32 v4;
	_ =	sdelay $0x8  }
0x104: {  	v5 =	vpop (erf)  }
0x105: {  	v5 =	vmul.f32 v5, v3;
	_ =	sdelay $0x1  }
0x106: {  	v4 =	vadd.f32 v5, v4;
	_ =	sdelay $0x1  }
0x107: {  	v4 =	vmul.f32 $5.000000000e-01, v4;
	_ =	sdelay $0x1  }
0x108: {  	(erf) = vrcp.f32 v4;
	_ =	sdelay $0x8  }
0x109: {  	v5 =	vpop (erf)  }
0x10a: {  	v5 =	vmul.f32 v5, v3;
	_ =	sdelay $0x1  }
0x10b: {  	v4 =	vadd.f32 v5, v4;
	_ =	sdelay $0x1  }
0x10c: {  	v4 =	vmul.f32 $5.000000000e-01, v4;
	_ =	sdelay $0x1  }
0x10d: {  	(erf) = vrcp.f32 v4;
	_ =	sdelay $0x8  }
0x10e: {  	v5 =	vpop (erf)  }
0x10f: {  	v5 =	vmul.f32 v5, v3;
	_ =	sdelay $0x1  }
0x110: {  	v4 =	vadd.f32 v5, v4;
	_ =	sdelay $0x1  }
0x111: {  	v4 =	vmul.f32 $5.000000000e-01, v4;
	_ =	sdelay $0x1  }
0x112: {  	(erf) = vrcp.f32 v4;
	_ =	sdelay $0x8  }
0x113: {  	v5 =	vpop (erf)  }
0x114: {  	v5 =	vmul.f32 v5, v3;
	_ =	sdelay $0x1  }
0x115: {  	v4 =	vadd.f32 v5, v4;
	_ =	sdelay $0x1  }
0x116: {  	v4 =	vmul.f32 $5.000000000e-01, v4;
	_ =	sdelay $0x1  }
0x117: {  	(erf) = vrcp.f32 v4;
	_ =	sdelay $0x8  }
0x118: {  	v5 =	vpop (erf)  }
0x119: {  	v5 =	vmul.f32 v5, v3;
	_ =	sdelay $0x1  }
0x11a: {  	v4 =	vadd.f32 v5, v4;
	_ =	sdelay $0x1  }
0x11b: {  	v4 =	vmul.f32 $5.000000000e-01, v4;
	_ =	sdelay $0x1  }
0x11c: {  	(erf) = vrcp.f32 v4;
	_ =	sdelay $0x8  }
0x11d: {  	v5 =	vpop (erf)  }
0x11e: {  	v5 =	vmul.f32 v5, v3;
	_ =	sdelay $0x1  }
0x11f: {  	v4 =	vadd.f32 v5, v4;
	_ =	sdelay $0x1  }
0x120: {  	v4 =	vmul.f32 $5.000000000e-01, v4;
	_ =	sdelay $0x1  }
0x121: {  	(erf) = vrcp.f32 v4;
	_ =	sdelay $0x8  }
0x122: {  	v5 =	vpop (erf)  }
0x123: {  	v5 =	vmul.f32 v5, v3;
	_ =	sdelay $0x1  }
0x124: {  	v4 =	vadd.f32 v5, v4;
	_ =	sdelay $0x1  }
0x125: {  	v4 =	vmul.f32 $5.000000000e-01, v4;
	_ =	sdelay $0x1  }
0x126: {  	(erf) = vrcp.f32 v4;
	_ =	sdelay $0x8  }
0x127: {  	v5 =	vpop (erf)  }
0x128: {  	v5 =	vmul.f32 v5, v3;
	_ =	sdelay $0x1  }
0x129: {  	v4 =	vadd.f32 v5, v4;
	_ =	sdelay $0x1  }
0x12a: {  	v4 =	vmul.f32 $5.000000000e-01, v4;
	_ =	sdelay $0x1  }
0x12b: {  	(erf) = vrcp.f32 v4;
	_ =	sdelay $0x8  }
0x12c: {  	v5 =	vpop (erf)  }
0x12d: {  	v5 =	vmul.f32 v5, v3;
	_ =	sdelay $0x1  }
0x12e: {  	v4 =	vadd.f32 v5, v4;
	_ =	sdelay $0x1  }
0x12f: {  	v4 =	vmul.f32 $5.000000000e-01, v4;
	_ =	sdelay $0x1  }
0x130: {  	(erf) = vrcp.f32 v4;
	_ =	sdelay $0x8  }
0x131: {  	v5 =	vpop (erf)  }
0x132: {  	v5 =	vmul.f32 v5, v3;
	_ =	sdelay $0x1  }
0x133: {  	v4 =	vadd.f32 v5, v4;
	_ =	sdelay $0x1  }
0x134: {  	v4 =	vmul.f32 $5.000000000e-01, v4;
	_ =	sdelay $0x1  }
0x135: {  	(erf) = vrcp.f32 v4;
	_ =	sdelay $0x8  }
0x136: {  	v5 =	vpop (erf)  }
0x137: {  	v5 =	vmul.f32 v5, v3;
	_ =	sdelay $0x1  }
0x138: {  	v4 =	vadd.f32 v5, v4;
	_ =	sdelay $0x1  }
0x139: {  	v4 =	vmul.f32 $5.000000000e-01, v4;
	_ =	sdelay $0x1  }
0x13a: {  	(erf) = vrcp.f32 v4;
	_ =	sdelay $0x8  }
0x13b: {  	v5 =	vpop (erf)  }
0x13c: {  	v5 =	vmul.f32 v5, v3;
	_ =	sdelay $0x1  }
0x13d: {  	v4 =	vadd.f32 v5, v4;
	_ =	sdelay $0x1  }
0x13e: {  	v4 =	vmul.f32 $5.000000000e-01, v4;
	_ =	sdelay $0x1  }
0x13f: {  	(erf) = vrcp.f32 v4;
	_ =	sdelay $0x8  }
0x140: {  	v5 =	vpop (erf)  }
0x141: {  	v5 =	vmul.f32 v5, v3;
	_ =	sdelay $0x1  }
0x142: {  	v4 =	vadd.f32 v5, v4;
	_ =	sdelay $0x1  }
0x143: {  	v4 =	vmul.f32 $5.000000000e-01, v4;
	_ =	sdelay $0x1  }
0x144: {  	(erf) = vrcp.f32 v4;
	_ =	sdelay $0x8  }
0x145: {  	v5 =	vpop (erf)  }
0x146: {  	v5 =	vmul.f32 v5, v3;
	_ =	sdelay $0x1  }
0x147: {  	v4 =	vadd.f32 v5, v4;
	_ =	sdelay $0x1  }
0x148: {  	v4 =	vmul.f32 $5.000000000e-01, v4;
	_ =	sdelay $0x1  }
0x149: {  	(erf) = vrcp.f32 v4;
	_ =	sdelay $0x8  }
0x14a: {  	v5 =	vpop (erf)  }
0x14b: {  	v5 =	vmul.f32 v5, v3;
	_ =	sdelay $0x1  }
0x14c: {  	v4 =	vadd.f32 v5, v4;
	_ =	sdelay $0x1  }
0x14d: {  	v4 =	vmul.f32 $5.000000000e-01, v4;
	_ =	sdelay $0x1  }
0x14e: {  	(erf) = vrcp.f32 v4;
	_ =	sdelay $0x6  }
.Ltmp6:
0x14f: {  	(pc) =	sbr.rel @p0 .LBB2_14-.Ltmp6, $4  }
0x150: {  	_ = 	snop  }
0x151: {  	vm0 =	vgt.f32 v3, $0.0e+00;
	v3 =	vpop (erf)  }
0x152: {  	v3 =	vnsel vm0, $0x0, v3  }
0x153: {  	[tilespmem:s25+$0x2800] =	vst v3;
	s25 =	sshra.s32 s26, $0x2;
	s26 =	sadd.s32 $0x40, s26  }
0x154: {  	v3 =	vld [tilespmem:s25+$0x2800];
	_ =	sdelay $0x4  }
0x155: {  	v4 =	vadd.f32 $1.000000000e+00, v3;
	_ =	sdelay $0x1  }
0x156: {  	v4 =	vmul.f32 $5.000000000e-01, v4;
	_ =	sdelay $0x1  }
0x157: {  	(erf) = vrcp.f32 v4;
	_ =	sdelay $0x8  }
0x158: {  	v5 =	vpop (erf)  }
0x159: {  	v5 =	vmul.f32 v5, v3;
	_ =	sdelay $0x1  }
0x15a: {  	v4 =	vadd.f32 v5, v4;
	_ =	sdelay $0x1  }
0x15b: {  	v4 =	vmul.f32 $5.000000000e-01, v4;
	_ =	sdelay $0x1  }
0x15c: {  	(erf) = vrcp.f32 v4;
	_ =	sdelay $0x8  }
0x15d: {  	v43 =	vpop (erf)  }
0x15e: {  	v5 =	vmul.f32 v43, v3;
	_ =	sdelay $0x1  }
0x15f: {  	v4 =	vadd.f32 v5, v4;
	_ =	sdelay $0x1  }
0x160: {  	v4 =	vmul.f32 $5.000000000e-01, v4;
	_ =	sdelay $0x1  }
0x161: {  	(erf) = vrcp.f32 v4;
	_ =	sdelay $0x8  }
0x162: {  	v44 =	vpop (erf)  }
0x163: {  	v5 =	vmul.f32 v44, v3;
	_ =	sdelay $0x1  }
0x164: {  	v4 =	vadd.f32 v5, v4;
	_ =	sdelay $0x1  }
0x165: {  	v4 =	vmul.f32 $5.000000000e-01, v4;
	_ =	sdelay $0x1  }
0x166: {  	(erf) = vrcp.f32 v4;
	_ =	sdelay $0x8  }
0x167: {  	v45 =	vpop (erf)  }
0x168: {  	v5 =	vmul.f32 v45, v3;
	_ =	sdelay $0x1  }
0x169: {  	v4 =	vadd.f32 v5, v4;
	_ =	sdelay $0x1  }
0x16a: {  	v4 =	vmul.f32 $5.000000000e-01, v4;
	_ =	sdelay $0x1  }
0x16b: {  	(erf) = vrcp.f32 v4;
	_ =	sdelay $0x8  }
0x16c: {  	v46 =	vpop (erf)  }
0x16d: {  	v5 =	vmul.f32 v46, v3;
	_ =	sdelay $0x1  }
0x16e: {  	v4 =	vadd.f32 v5, v4;
	_ =	sdelay $0x1  }
0x16f: {  	v4 =	vmul.f32 $5.000000000e-01, v4;
	_ =	sdelay $0x1  }
0x170: {  	(erf) = vrcp.f32 v4;
	_ =	sdelay $0x8  }
0x171: {  	v47 =	vpop (erf)  }
0x172: {  	v5 =	vmul.f32 v47, v3;
	_ =	sdelay $0x1  }
0x173: {  	v4 =	vadd.f32 v5, v4;
	_ =	sdelay $0x1  }
0x174: {  	v4 =	vmul.f32 $5.000000000e-01, v4;
	_ =	sdelay $0x1  }
0x175: {  	(erf) = vrcp.f32 v4;
	_ =	sdelay $0x8  }
0x176: {  	v48 =	vpop (erf)  }
0x177: {  	v5 =	vmul.f32 v48, v3;
	_ =	sdelay $0x1  }
0x178: {  	v4 =	vadd.f32 v5, v4;
	_ =	sdelay $0x1  }
0x179: {  	v4 =	vmul.f32 $5.000000000e-01, v4;
	_ =	sdelay $0x1  }
0x17a: {  	(erf) = vrcp.f32 v4;
	_ =	sdelay $0x8  }
0x17b: {  	v49 =	vpop (erf)  }
0x17c: {  	v5 =	vmul.f32 v49, v3;
	_ =	sdelay $0x1  }
0x17d: {  	v4 =	vadd.f32 v5, v4;
	_ =	sdelay $0x1  }
0x17e: {  	v4 =	vmul.f32 $5.000000000e-01, v4;
	_ =	sdelay $0x1  }
0x17f: {  	(erf) = vrcp.f32 v4;
	_ =	sdelay $0x8  }
0x180: {  	v50 =	vpop (erf)  }
0x181: {  	v5 =	vmul.f32 v50, v3;
	_ =	sdelay $0x1  }
0x182: {  	v4 =	vadd.f32 v5, v4;
	_ =	sdelay $0x1  }
0x183: {  	v4 =	vmul.f32 $5.000000000e-01, v4;
	_ =	sdelay $0x1  }
0x184: {  	(erf) = vrcp.f32 v4;
	_ =	sdelay $0x8  }
0x185: {  	v51 =	vpop (erf)  }
0x186: {  	v5 =	vmul.f32 v51, v3;
	_ =	sdelay $0x1  }
0x187: {  	v4 =	vadd.f32 v5, v4;
	_ =	sdelay $0x1  }
0x188: {  	v4 =	vmul.f32 $5.000000000e-01, v4;
	_ =	sdelay $0x1  }
0x189: {  	(erf) = vrcp.f32 v4;
	_ =	sdelay $0x8  }
0x18a: {  	v52 =	vpop (erf)  }
0x18b: {  	v5 =	vmul.f32 v52, v3;
	_ =	sdelay $0x1  }
0x18c: {  	v4 =	vadd.f32 v5, v4;
	_ =	sdelay $0x1  }
0x18d: {  	v4 =	vmul.f32 $5.000000000e-01, v4;
	_ =	sdelay $0x1  }
0x18e: {  	(erf) = vrcp.f32 v4;
	_ =	sdelay $0x8  }
0x18f: {  	v53 =	vpop (erf)  }
0x190: {  	v5 =	vmul.f32 v53, v3;
	_ =	sdelay $0x1  }
0x191: {  	v4 =	vadd.f32 v5, v4;
	_ =	sdelay $0x1  }
0x192: {  	v4 =	vmul.f32 $5.000000000e-01, v4;
	_ =	sdelay $0x1  }
0x193: {  	(erf) = vrcp.f32 v4;
	_ =	sdelay $0x8  }
0x194: {  	v54 =	vpop (erf)  }
0x195: {  	v5 =	vmul.f32 v54, v3;
	_ =	sdelay $0x1  }
0x196: {  	v4 =	vadd.f32 v5, v4;
	_ =	sdelay $0x1  }
0x197: {  	v4 =	vmul.f32 $5.000000000e-01, v4;
	_ =	sdelay $0x1  }
0x198: {  	(erf) = vrcp.f32 v4;
	_ =	sdelay $0x8  }
0x199: {  	v55 =	vpop (erf)  }
0x19a: {  	v5 =	vmul.f32 v55, v3;
	_ =	sdelay $0x1  }
0x19b: {  	v4 =	vadd.f32 v5, v4;
	_ =	sdelay $0x1  }
0x19c: {  	v4 =	vmul.f32 $5.000000000e-01, v4;
	_ =	sdelay $0x1  }
0x19d: {  	(erf) = vrcp.f32 v4;
	_ =	sdelay $0x8  }
0x19e: {  	v56 =	vpop (erf)  }
0x19f: {  	v5 =	vmul.f32 v56, v3;
	_ =	sdelay $0x1  }
0x1a0: {  	v4 =	vadd.f32 v5, v4;
	_ =	sdelay $0x1  }
0x1a1: {  	v4 =	vmul.f32 $5.000000000e-01, v4;
	_ =	sdelay $0x1  }
0x1a2: {  	(erf) = vrcp.f32 v4;
	_ =	sdelay $0x8  }
0x1a3: {  	v57 =	vpop (erf)  }
0x1a4: {  	v5 =	vmul.f32 v57, v3;
	_ =	sdelay $0x1  }
0x1a5: {  	v4 =	vadd.f32 v5, v4;
	_ =	sdelay $0x1  }
0x1a6: {  	v4 =	vmul.f32 $5.000000000e-01, v4;
	_ =	sdelay $0x1  }
0x1a7: {  	(erf) = vrcp.f32 v4;
	_ =	sdelay $0x8  }
0x1a8: {  	v58 =	vpop (erf)  }
0x1a9: {  	v5 =	vmul.f32 v58, v3;
	_ =	sdelay $0x1  }
0x1aa: {  	v4 =	vadd.f32 v5, v4;
	_ =	sdelay $0x1  }
0x1ab: {  	v4 =	vmul.f32 $5.000000000e-01, v4;
	_ =	sdelay $0x1  }
0x1ac: {  	(erf) = vrcp.f32 v4;
	_ =	sdelay $0x8  }
0x1ad: {  	v59 =	vpop (erf)  }
0x1ae: {  	v5 =	vmul.f32 v59, v3;
	_ =	sdelay $0x1  }
0x1af: {  	v4 =	vadd.f32 v5, v4;
	_ =	sdelay $0x1  }
0x1b0: {  	v4 =	vmul.f32 $5.000000000e-01, v4;
	_ =	sdelay $0x1  }
0x1b1: {  	(erf) = vrcp.f32 v4;
	_ =	sdelay $0x8  }
0x1b2: {  	v60 =	vpop (erf)  }
0x1b3: {  	v5 =	vmul.f32 v60, v3;
	_ =	sdelay $0x1  }
0x1b4: {  	v4 =	vadd.f32 v5, v4;
	_ =	sdelay $0x1  }
0x1b5: {  	v4 =	vmul.f32 $5.000000000e-01, v4;
	_ =	sdelay $0x1  }
0x1b6: {  	(erf) = vrcp.f32 v4;
	_ =	sdelay $0x8  }
0x1b7: {  	v61 =	vpop (erf)  }
0x1b8: {  	v5 =	vmul.f32 v61, v3;
	_ =	sdelay $0x1  }
0x1b9: {  	v4 =	vadd.f32 v5, v4;
	_ =	sdelay $0x1  }
0x1ba: {  	v4 =	vmul.f32 $5.000000000e-01, v4;
	_ =	sdelay $0x1  }
0x1bb: {  	(erf) = vrcp.f32 v4;
	_ =	sdelay $0x8  }
0x1bc: {  	v62 =	vpop (erf)  }
0x1bd: {  	v5 =	vmul.f32 v62, v3;
	_ =	sdelay $0x1  }
0x1be: {  	v4 =	vadd.f32 v5, v4;
	_ =	sdelay $0x1  }
0x1bf: {  	v4 =	vmul.f32 $5.000000000e-01, v4;
	_ =	sdelay $0x1  }
0x1c0: {  	(erf) = vrcp.f32 v4;
	_ =	sdelay $0x8  }
0x1c1: {  	v63 =	vpop (erf)  }
0x1c2: {  	v5 =	vmul.f32 v63, v3;
	_ =	sdelay $0x1  }
0x1c3: {  	v4 =	vadd.f32 v5, v4;
	_ =	sdelay $0x1  }
0x1c4: {  	v4 =	vmul.f32 $5.000000000e-01, v4;
	_ =	sdelay $0x1  }
0x1c5: {  	(erf) = vrcp.f32 v4;
	_ =	sdelay $0x8  }
0x1c6: {  	vm0 =	vgt.f32 v3, $0.0e+00;
	v3 =	vpop (erf)  }
0x1c7: {  	v3 =	vnsel vm0, $0x0, v3  }
0x1c8: {  	[tilespmem:s25+$0x2800] =	vst v3  }
0x1c9: {  	[spmem:s23] =	stream.linear.scatter [tilespmem:s15], [sflag:$0x1], $0x280, $0x38;
	[tilespmem:$0x1F580] =	vst v63  }
0x1ca: {  	_ =	swait.ge [sflag:s0], $0x280  }
0x1cb: {  	[sflag:s0] =	ssyncset.done $0x0  }
0x1cc: {  	[sflag:s0] =	ssyncadd.s32 $0xFFFFFD80  }
0x1cd: {  	[bflag:$0x0] =	sbarrier.arrive $0xFFFF  }
0x1ce: {  	[tilespmem:s15], [sflag:$0x1] =	stream.linear.gather [spmem:s4], $0x2800, $0x38;
	[tilespmem:$0x1F580] =	vst v63  }
0x1cf: {  	_ =	swait.ge [sflag:s0], $0x2800  }
0x1d0: {  	[sflag:s0] =	ssyncset.done $0x0  }
0x1d1: {  	s26 =	simm.s32 $0x0;
	s25 =	simm.s32 $0x0;
	[sflag:s0] =	ssyncadd.s32 $0xFFFFD800  }
.LBB2_16:
0x1d2: {  	s1 =	sshll.u32 s26, $0xC  }
0x1d3: {  	s1 =	sadd.s32 s1, s18  }
0x1d4: {  	s6 =	rddreg [dreg:$0x1];
	s1 =	sshrl.u32 s1, $0x3  }
0x1d5: {  	s1 =	sadd.s32 s6, s1  }
0x1d6: {  	[tilespmem:s25], [sflag:$0x1] =	stream.linear.gather [hbm4b:s1+s25], $0xC80, $0x38;
	[tilespmem:$0x1F580] =	vst v63  }
0x1d7: {  	s28 =	sshll.u32 s26, $0x4;
	_ =	swait.ge [sflag:s0], $0xC80  }
0x1d8: {  	s1 =	sadd.s32 s20, s28;
	[sflag:s0] =	ssyncset.done $0x0;
	s29 =	rddreg [dreg:$0x7]  }
0x1d9: {  	s8 =	simm.s32 $0x1000;
	[sflag:s0] =	ssyncadd.s32 $0xFFFFF380;
	s6 =	sadd.s32 s29, s1  }
0x1da: {  	[tilespmem:s8], [sflag:$0x1] =	stream.strided.gather [hbm4b:s6+s16], $0x800, s17, s16, $0x38;
	[tilespmem:$0x1F580] =	vst v63  }
0x1db: {  	_ =	swait.ge [sflag:s0], $0x800  }
0x1dc: {  	[sflag:s0] =	ssyncset.done $0x0;
	s30 =	rddreg [dreg:$0x8]  }
0x1dd: {  	s31 =	simm.s32 $0x1800;
	[sflag:s0] =	ssyncadd.s32 $0xFFFFF800;
	s1 =	sadd.s32 s30, s1  }
0x1de: {  	[tilespmem:s31], [sflag:$0x1] =	stream.strided.gather [hbm4b:s1+s16], $0x800, s17, s16, $0x38;
	[tilespmem:$0x1F580] =	vst v63  }
0x1df: {  	_ =	swait.ge [sflag:s0], $0x800  }
0x1e0: {  	[sflag:s0] =	ssyncset.done $0x0  }
0x1e1: {  	s6 =	simm.s32 $0x0;
	s1 =	simm.s32 $0x20;
	[sflag:s0] =	ssyncadd.s32 $0xFFFFF800  }
.LBB2_17:
0x1e2: {  	s11 =	sshra.s32 s6, $0x2  }
0x1e3: {  	v3 =	vld [tilespmem:s11+$0x1000]  }
0x1e4: {  	v4 =	vld [tilespmem:s1+$0xFFFFFFE0];
	_ =	sdelay $0x3  }
0x1e5: {  	v3 =	vsub.s32 v3, v0;
	_ =	sdelay $0x3  }
0x1e6: {  	v4 =	vld.idx.msk [tilespmem:v4+s15+$0x0], $0xffff  }
0x1e7: {  	v3 =	vld.idx.msk [tilespmem:v3+s15+$0x0], $0xffff;
	_ =	sdelay $0x4  }
0x1e8: {  	v3 =	vmul.f32 v3, v4;
	_ =	sdelay $0x1  }
0x1e9: {  	[tilespmem:s11+$0x2000] =	vst v3;
	v3 =	vld [tilespmem:s11+$0x1010]  }
0x1ea: {  	v60 =	vld [tilespmem:s1+$0xFFFFFFF0];
	_ =	sdelay $0x3  }
0x1eb: {  	v3 =	vsub.s32 v3, v0;
	_ =	sdelay $0x3  }
0x1ec: {  	v4 =	vld.idx.msk [tilespmem:v60+s15+$0x0], $0xffff  }
0x1ed: {  	v3 =	vld.idx.msk [tilespmem:v3+s15+$0x0], $0xffff;
	_ =	sdelay $0x4  }
0x1ee: {  	v3 =	vmul.f32 v3, v4;
	_ =	sdelay $0x1  }
0x1ef: {  	[tilespmem:s11+$0x2010] =	vst v3;
	v3 =	vld [tilespmem:s11+$0x1020]  }
0x1f0: {  	v61 =	vld [tilespmem:s1+$0x0];
	_ =	sdelay $0x3  }
0x1f1: {  	v3 =	vsub.s32 v3, v0;
	_ =	sdelay $0x3  }
0x1f2: {  	v4 =	vld.idx.msk [tilespmem:v61+s15+$0x0], $0xffff  }
0x1f3: {  	v3 =	vld.idx.msk [tilespmem:v3+s15+$0x0], $0xffff;
	_ =	sdelay $0x4  }
0x1f4: {  	v3 =	vmul.f32 v3, v4;
	_ =	sdelay $0x1  }
0x1f5: {  	[tilespmem:s11+$0x2020] =	vst v3;
	v3 =	vld [tilespmem:s11+$0x1030]  }
0x1f6: {  	v62 =	vld [tilespmem:s1+$0x10];
	_ =	sdelay $0x3  }
0x1f7: {  	v3 =	vsub.s32 v3, v0;
	_ =	sdelay $0x3  }
0x1f8: {  	v4 =	vld.idx.msk [tilespmem:v62+s15+$0x0], $0xffff  }
0x1f9: {  	v3 =	vld.idx.msk [tilespmem:v3+s15+$0x0], $0xffff;
	_ =	sdelay $0x4  }
0x1fa: {  	v3 =	vmul.f32 v3, v4;
	_ =	sdelay $0x1  }
0x1fb: {  	[tilespmem:s11+$0x2030] =	vst v3;
	v3 =	vld [tilespmem:s11+$0x1040]  }
0x1fc: {  	v63 =	vld [tilespmem:s1+$0x20];
	_ =	sdelay $0x3  }
0x1fd: {  	v3 =	vsub.s32 v3, v0;
	_ =	sdelay $0x3  }
0x1fe: {  	v4 =	vld.idx.msk [tilespmem:v63+s15+$0x0], $0xffff  }
0x1ff: {  	v3 =	vld.idx.msk [tilespmem:v3+s15+$0x0], $0xffff;
	_ =	sdelay $0x1  }
0x200: {  	p0 =	sne.s32 s6, $0x1E00  }
.Ltmp7:
0x201: {  	_ = 	snop;
	(pc) =	sbr.rel @p0 .LBB2_17-.Ltmp7, $3  }
0x202: {  	_ = 	snop  }
0x203: {  	v3 =	vmul.f32 v3, v4;
	_ =	sdelay $0x1  }
0x204: {  	s6 =	sadd.s32 $0x140, s6;
	s1 =	sadd.s32 $0x80, s1;
	[tilespmem:s11+$0x2040] =	vst v3  }
0x205: {  	s28 =	simm.s32 $0x0;
	s29 =	simm.s32 $0x0  }
.LBB2_19:
0x206: {  	s1 =	smul.u32 $0x50, s29;
	_ =	sdelay $0x1  }
0x207: {  	s6 =	sadd.s32 $0x1000, s1  }
0x208: {  	[tilespmem:s5], [sflag:$0x1] =	stream.indirect.gather [hbm4b:s7+s10], $0x80, s6, s10, $0xb8;
	[tilespmem:$0x1F580] =	vst v63  }
0x209: {  	s12 =	sadd.s32 $0xFFFFFFFE, s28;
	_ =	swait.ge [sflag:s0], $0x2800  }
0x20a: {  	s11 =	sadd.s32 $0x2, s12;
	[sflag:s0] =	ssyncset.done $0x0  }
0x20b: {  	s1 =	sadd.s32 $0x1800, s1;
	v3 =	vmov s11;
	[sflag:s0] =	ssyncadd.s32 $0xFFFFD800  }
0x20c: {  	v3 =	vand.u32 $0xFFFFFFFE, v3;
	[tilespmem:s22], [sflag:$0x1] =	stream.indirect.gather [spmem:s2], $0x80, s1, s10, $0xb8;
	[tilespmem:$0x1F580] =	vst v63  }
0x20d: {  	v3 =	vbroadcast v3, $0x0;
	_ =	swait.ge [sflag:s0], $0x2800  }
0x20e: {  	[sflag:s0] =	ssyncset.done $0x0  }
0x20f: {  	s30 =	simm.s32 $0x5080;
	[sflag:s0] =	ssyncadd.s32 $0xFFFFD800  }
0x210: {  	s13 =	simm.s32 $0x7880;
	v4 =	vld [tilespmem:s30+$0xFFFFFF80]  }
0x211: {  	v5 =	vld [tilespmem:s13+$0xFFFFFF80];
	_ =	sdelay $0x1  }
0x212: {  	v16 =	vld.idx.msk [tilespmem:v3+s24+$0x0], $0xffff;
	_ =	sdelay $0x2  }
0x213: {  	v3 =	vsub.f32 v4, v5;
	_ =	sdelay $0x1  }
0x214: {  	v3 =	vmul.f32 v3, v16  }
0x215: {  	s21 =	sadd.s32 $0x0, s28  }
0x216: {  	s19 =	sadd.s32 $0x3, s12;
	s8 =	sadd.s32 $0x2, s21;
	[tilespmem:s30+$0xFFFFFF80] =	vst v3;
	v3 =	vld [tilespmem:s30+$0xFFFFFF90]  }
0x217: {  	v9 =	vmov s8;
	v5 =	vmov s19;
	v4 =	vld [tilespmem:s13+$0xFFFFFF90]  }
0x218: {  	v9 =	vand.u32 $0xFFFFFFFE, v9  }
0x219: {  	v9 =	vbroadcast v9, $0x0;
	v6 =	vld [tilespmem:s30+$0x0]  }
0x21a: {  	v7 =	vld [tilespmem:s13+$0x0]  }
0x21b: {  	v8 =	vld [tilespmem:s30+$0x20]  }
0x21c: {  	v4 =	vsub.f32 v3, v4;
	v3 =	vld.idx.msk [tilespmem:v5+s24+$0x0], $0xffff  }
0x21d: {  	s31 =	simm.s32 $0x5180;
	v13 =	vld [tilespmem:s30+$0x40]  }
0x21e: {  	v12 =	vld [tilespmem:s31+$0xFFFFFF80];
	v4 =	vmul.f32 v4, v16  }
0x21f: {  	v17 =	vld.idx.msk [tilespmem:v9+s24+$0x0], $0xffff;
	v6 =	vsub.f32 v6, v7  }
0x220: {  	[tilespmem:s30+$0xFFFFFF90] =	vst v4;
	v4 =	vld [tilespmem:s30+$0xFFFFFFA0]  }
0x221: {  	v6 =	vmul.f32 v6, v3;
	v10 =	vld [tilespmem:s13+$0xFFFFFFA0]  }
0x222: {  	v11 =	vld [tilespmem:s30+$0x50]  }
0x223: {  	v5 =	vld [tilespmem:s30+$0x10];
	[tilespmem:s30+$0x0] =	vst v6  }
0x224: {  	v6 =	vld [tilespmem:s13+$0x10]  }
0x225: {  	s23 =	simm.s32 $0x7980;
	v19 =	vld [tilespmem:s30+$0x60]  }
0x226: {  	v4 =	vsub.f32 v4, v10;
	v10 =	vld [tilespmem:s23+$0xFFFFFF80]  }
0x227: {  	v14 =	vld [tilespmem:s23+$0x0]  }
0x228: {  	v15 =	vld [tilespmem:s31+$0x10];
	v4 =	vmul.f32 v4, v16  }
0x229: {  	v21 =	vld [tilespmem:s31+$0x30];
	v5 =	vsub.f32 v5, v6  }
0x22a: {  	[tilespmem:s30+$0xFFFFFFA0] =	vst v4;
	v4 =	vld [tilespmem:s30+$0xFFFFFFB0]  }
0x22b: {  	v6 =	vsub.f32 v12, v10;
	v5 =	vmul.f32 v5, v3;
	v9 =	vld [tilespmem:s13+$0xFFFFFFB0]  }
0x22c: {  	v18 =	vld [tilespmem:s31+$0x40]  }
0x22d: {  	v20 =	vld [tilespmem:s31+$0x50];
	v6 =	vmul.f32 v6, v17;
	[tilespmem:s30+$0x10] =	vst v5  }
0x22e: {  	v5 =	vld [tilespmem:s13+$0x20]  }
0x22f: {  	[tilespmem:s31+$0xFFFFFF80] =	vst v6;
	v6 =	vld [tilespmem:s31+$0xFFFFFF90]  }
0x230: {  	s11 =	simm.s32 $0x5280;
	v4 =	vsub.f32 v4, v9;
	v9 =	vld [tilespmem:s23+$0xFFFFFF90]  }
0x231: {  	s1 =	sadd.s32 $0x3, s21;
	v23 =	vld [tilespmem:s11+$0xFFFFFF80]  }
0x232: {  	v24 =	vld [tilespmem:s30+$0xFFFFFFE0];
	v12 =	vmov s1;
	v10 =	vmul.f32 v4, v16  }
0x233: {  	v7 =	vld [tilespmem:s30+$0x30];
	v5 =	vsub.f32 v8, v5  }
0x234: {  	[tilespmem:s30+$0xFFFFFFB0] =	vst v10;
	v10 =	vld [tilespmem:s30+$0xFFFFFFC0]  }
0x235: {  	v6 =	vsub.f32 v6, v9;
	v5 =	vmul.f32 v5, v3;
	v9 =	vld [tilespmem:s13+$0xFFFFFFC0]  }
0x236: {  	v8 =	vld [tilespmem:s31+$0x0]  }
0x237: {  	v6 =	vmul.f32 v6, v17;
	[tilespmem:s30+$0x20] =	vst v5;
	v5 =	vld.idx.msk [tilespmem:v12+s24+$0x0], $0xffff  }
0x238: {  	v12 =	vld [tilespmem:s13+$0x30]  }
0x239: {  	[tilespmem:s31+$0xFFFFFF90] =	vst v6;
	v6 =	vld [tilespmem:s31+$0xFFFFFFA0]  }
0x23a: {  	v9 =	vsub.f32 v10, v9;
	v10 =	vld [tilespmem:s23+$0xFFFFFFA0]  }
0x23b: {  	s12 =	simm.s32 $0x7A80;
	v25 =	vld [tilespmem:s31+$0xFFFFFFC0];
	v8 =	vsub.f32 v8, v14  }
0x23c: {  	v27 =	vld [tilespmem:s12+$0x0];
	v9 =	vmul.f32 v9, v16  }
0x23d: {  	v29 =	vld [tilespmem:s11+$0x30];
	v8 =	vmul.f32 v8, v5;
	v7 =	vsub.f32 v7, v12  }
0x23e: {  	s9 =	sadd.s32 $0x2, s28;
	[tilespmem:s30+$0xFFFFFFC0] =	vst v9;
	v9 =	vld [tilespmem:s30+$0xFFFFFFD0]  }
0x23f: {  	s19 =	sadd.s32 $0x2, s9;
	[tilespmem:s31+$0x0] =	vst v8;
	v6 =	vsub.f32 v6, v10;
	v8 =	vld [tilespmem:s13+$0xFFFFFFD0];
	v7 =	vmul.f32 v7, v3  }
0x240: {  	v31 =	vld [tilespmem:s31+$0xFFFFFFF0];
	v12 =	vmov s19  }
0x241: {  	s6 =	simm.s32 $0x5380;
	v10 =	vld [tilespmem:s23+$0x10];
	v6 =	vmul.f32 v6, v17;
	[tilespmem:s30+$0x30] =	vst v7;
	v7 =	vand.u32 $0xFFFFFFFE, v12  }
0x242: {  	v33 =	vld [tilespmem:s6+$0x0];
	v7 =	vbroadcast v7, $0x0  }
0x243: {  	v12 =	vld [tilespmem:s31+$0xFFFFFFB0];
	[tilespmem:s31+$0xFFFFFFA0] =	vst v6  }
0x244: {  	v6 =	vsub.f32 v9, v8;
	v8 =	vld [tilespmem:s23+$0xFFFFFFB0]  }
0x245: {  	v62 =	vld [tilespmem:s11+$0xFFFFFFD0]  }
0x246: {  	v10 =	vsub.f32 v15, v10;
	v15 =	vld [tilespmem:s12+$0xFFFFFF80];
	v6 =	vmul.f32 v6, v16  }
0x247: {  	v4 =	vld [tilespmem:s30+$0x70]  }
0x248: {  	v10 =	vmul.f32 v10, v5;
	[tilespmem:s30+$0xFFFFFFD0] =	vst v6;
	v6 =	vld.idx.msk [tilespmem:v7+s24+$0x0], $0xffff  }
0x249: {  	v14 =	vld [tilespmem:s31+$0x20];
	v7 =	vsub.f32 v12, v8  }
0x24a: {  	v22 =	vld [tilespmem:s13+$0x40];
	[tilespmem:s31+$0x10] =	vst v10  }
0x24b: {  	v8 =	vld [tilespmem:s23+$0x20];
	v15 =	vsub.f32 v23, v15;
	v12 =	vmul.f32 v7, v17  }
0x24c: {  	v9 =	vld [tilespmem:s31+$0x60]  }
0x24d: {  	v23 =	vld [tilespmem:s11+$0x0];
	[tilespmem:s31+$0xFFFFFFB0] =	vst v12;
	v12 =	vmul.f32 v15, v6  }
0x24e: {  	s1 =	sadd.s32 $0x3, s9;
	v26 =	vld [tilespmem:s23+$0xFFFFFFC0]  }
0x24f: {  	v15 =	vmov s1;
	[tilespmem:s11+$0xFFFFFF80] =	vst v12;
	v12 =	vld [tilespmem:s11+$0xFFFFFF90]  }
0x250: {  	v8 =	vsub.f32 v14, v8;
	v14 =	vld [tilespmem:s12+$0xFFFFFF90]  }
0x251: {  	v10 =	vld [tilespmem:s13+$0xFFFFFFE0]  }
0x252: {  	v7 =	vld [tilespmem:s31+$0x70]  }
0x253: {  	v23 =	vsub.f32 v23, v27;
	v27 =	vld [tilespmem:s30+$0xFFFFFFF0]  }
0x254: {  	s1 =	simm.s32 $0x7B80;
	v28 =	vmul.f32 v8, v5;
	v8 =	vld.idx.msk [tilespmem:v15+s24+$0x0], $0xffff;
	v25 =	vsub.f32 v25, v26  }
0x255: {  	v35 =	vld [tilespmem:s1+$0x0];
	v14 =	vsub.f32 v12, v14  }
0x256: {  	v15 =	vld [tilespmem:s11+$0x10];
	[tilespmem:s31+$0x20] =	vst v28;
	v25 =	vmul.f32 v25, v17  }
0x257: {  	v28 =	vld [tilespmem:s23+$0x30];
	v14 =	vmul.f32 v14, v6  }
0x258: {  	v13 =	vsub.f32 v13, v22;
	[tilespmem:s31+$0xFFFFFFC0] =	vst v25;
	v25 =	vld [tilespmem:s31+$0xFFFFFFD0]  }
0x259: {  	v22 =	vld [tilespmem:s23+$0xFFFFFFD0];
	[tilespmem:s11+$0xFFFFFF90] =	vst v14;
	v14 =	vmul.f32 v23, v8  }
0x25a: {  	v13 =	vmul.f32 v13, v3;
	v23 =	vld [tilespmem:s11+$0xFFFFFFA0]  }
0x25b: {  	v10 =	vsub.f32 v24, v10;
	v24 =	vld [tilespmem:s12+$0xFFFFFFA0];
	[tilespmem:s11+$0x0] =	vst v14  }
0x25c: {  	[tilespmem:s30+$0x40] =	vst v13;
	v13 =	vld [tilespmem:s12+$0x10]  }
0x25d: {  	v10 =	vmul.f32 v10, v16;
	v14 =	vsub.f32 v21, v28;
	v21 =	vld [tilespmem:s13+$0x50]  }
0x25e: {  	v26 =	vld [tilespmem:s11+$0x20];
	v22 =	vsub.f32 v25, v22  }
0x25f: {  	[tilespmem:s30+$0xFFFFFFE0] =	vst v10;
	v12 =	vld [tilespmem:s11+$0x40]  }
0x260: {  	v25 =	vld [tilespmem:s13+$0xFFFFFFF0];
	v22 =	vmul.f32 v22, v17;
	v23 =	vsub.f32 v23, v24  }
0x261: {  	s19 =	sadd.s32 $0x4, s28;
	v10 =	vmul.f32 v14, v5;
	v14 =	vld [tilespmem:s11+$0x50];
	v13 =	vsub.f32 v15, v13  }
0x262: {  	s21 =	sadd.s32 $0x2, s19;
	v11 =	vsub.f32 v11, v21;
	v21 =	vld [tilespmem:s31+$0xFFFFFFE0];
	[tilespmem:s31+$0xFFFFFFD0] =	vst v22;
	v15 =	vmul.f32 v23, v6  }
0x263: {  	v23 =	vmov s21;
	v22 =	vld [tilespmem:s23+$0xFFFFFFE0];
	v13 =	vmul.f32 v13, v8  }
0x264: {  	[tilespmem:s11+$0xFFFFFFA0] =	vst v15;
	v15 =	vand.u32 $0xFFFFFFFE, v23;
	v23 =	vld [tilespmem:s11+$0xFFFFFFB0]  }
0x265: {  	[tilespmem:s11+$0x10] =	vst v13;
	v13 =	vbroadcast v15, $0x0;
	v15 =	vld [tilespmem:s12+$0xFFFFFFB0]  }
0x266: {  	[tilespmem:s31+$0x30] =	vst v10;
	v10 =	vld [tilespmem:s11+$0x60];
	v11 =	vmul.f32 v11, v3  }
0x267: {  	v24 =	vld [tilespmem:s23+$0x40]  }
0x268: {  	[tilespmem:s30+$0x50] =	vst v11;
	v11 =	vsub.f32 v21, v22;
	v21 =	vld [tilespmem:s6+$0xFFFFFF80]  }
0x269: {  	v22 =	vld [tilespmem:s1+$0xFFFFFF80]  }
0x26a: {  	v28 =	vld [tilespmem:s12+$0x20];
	v15 =	vsub.f32 v23, v15  }
0x26b: {  	s19 =	sadd.s32 $0x3, s19;
	v32 =	vmul.f32 v11, v17;
	v11 =	vld.idx.msk [tilespmem:v13+s24+$0x0], $0xffff  }
0x26c: {  	v30 =	vld [tilespmem:s13+$0x60];
	v23 =	vmov s19;
	v15 =	vmul.f32 v15, v6  }
0x26d: {  	v24 =	vsub.f32 v18, v24;
	v18 =	vld [tilespmem:s6+$0x30]  }
0x26e: {  	v21 =	vsub.f32 v21, v22;
	v22 =	vld [tilespmem:s11+$0xFFFFFFC0];
	[tilespmem:s11+$0xFFFFFFB0] =	vst v15  }
0x26f: {  	v34 =	vld [tilespmem:s12+$0xFFFFFFC0]  }
0x270: {  	v13 =	vld [tilespmem:s11+$0x70];
	v26 =	vsub.f32 v26, v28;
	v21 =	vmul.f32 v21, v11  }
0x271: {  	v15 =	vld.idx.msk [tilespmem:v23+s24+$0x0], $0xffff  }
0x272: {  	v23 =	vld [tilespmem:s6+$0xFFFFFF90];
	[tilespmem:s6+$0xFFFFFF80] =	vst v21;
	v21 =	vmul.f32 v26, v8  }
0x273: {  	v26 =	vld [tilespmem:s1+$0xFFFFFF90]  }
0x274: {  	v28 =	vld [tilespmem:s6+$0x10];
	v22 =	vsub.f32 v22, v34;
	[tilespmem:s11+$0x20] =	vst v21  }
0x275: {  	v33 =	vsub.f32 v33, v35;
	v19 =	vsub.f32 v19, v30;
	[tilespmem:s31+$0xFFFFFFE0] =	vst v32;
	v60 =	vld [tilespmem:s12+$0x30]  }
0x276: {  	v32 =	vld [tilespmem:s23+$0xFFFFFFF0];
	v61 =	vmul.f32 v22, v6  }
0x277: {  	v30 =	vmul.f32 v19, v3;
	v19 =	vld [tilespmem:s6+$0x50];
	v33 =	vmul.f32 v33, v15  }
0x278: {  	v24 =	vmul.f32 v24, v5;
	v21 =	vld [tilespmem:s6+$0x20];
	v23 =	vsub.f32 v23, v26;
	[tilespmem:s11+$0xFFFFFFC0] =	vst v61  }
0x279: {  	[tilespmem:s6+$0x0] =	vst v33;
	v63 =	vld [tilespmem:s12+$0xFFFFFFD0]  }
0x27a: {  	[tilespmem:s31+$0x40] =	vst v24;
	v26 =	vsub.f32 v27, v25;
	v23 =	vmul.f32 v23, v11;
	v24 =	vsub.f32 v29, v60;
	v29 =	vld [tilespmem:s1+$0x10]  }
0x27b: {  	v27 =	vld [tilespmem:s23+$0x50]  }
0x27c: {  	v25 =	vld [tilespmem:s6+$0xFFFFFFA0];
	v16 =	vmul.f32 v26, v16;
	[tilespmem:s6+$0xFFFFFF90] =	vst v23;
	v23 =	vmul.f32 v24, v8;
	v24 =	vsub.f32 v31, v32  }
0x27d: {  	v26 =	vld [tilespmem:s1+$0xFFFFFFA0]  }
0x27e: {  	v22 =	vld [tilespmem:s6+$0x40];
	[tilespmem:s30+$0xFFFFFFF0] =	vst v16;
	v17 =	vmul.f32 v24, v17;
	v24 =	vsub.f32 v62, v63  }
0x27f: {  	v16 =	vld [tilespmem:s6+$0x60];
	[tilespmem:s11+$0x30] =	vst v23;
	v28 =	vsub.f32 v28, v29  }
0x280: {  	[tilespmem:s30+$0x60] =	vst v30;
	v20 =	vsub.f32 v20, v27;
	v23 =	vld [tilespmem:s12+$0x40];
	v24 =	vmul.f32 v24, v6  }
0x281: {  	s21 =	simm.s32 $0x6;
	s19 =	simm.s32 $0x7B80;
	[tilespmem:s31+$0xFFFFFFF0] =	vst v17;
	v17 =	vld [tilespmem:s13+$0x70];
	s13 =	simm.s32 $0x5380;
	v27 =	vmul.f32 v28, v15  }
.LBB2_20:
0x282: {  	s8 =	sadd.s32 s21, s28;
	s21 =	sadd.s32 $0x2, s21;
	v25 =	vsub.f32 v25, v26;
	[tilespmem:s11+$0xFFFFFFD0] =	vst v24;
	v24 =	vld [tilespmem:s11+$0xFFFFFFE0];
	v20 =	vmul.f32 v20, v5  }
0x283: {  	s9 =	sadd.s32 $0x2, s8;
	s8 =	sadd.s32 $0x3, s8;
	p0 =	slt.u32 s21, $0x4E;
	[tilespmem:s6+$0x10] =	vst v27;
	v26 =	vld [tilespmem:s12+$0xFFFFFFE0];
	v27 =	vmov v19  }
0x284: {  	v19 =	vmov s9;
	v28 =	vmov s8;
	v25 =	vmul.f32 v25, v11;
	v29 =	vld [tilespmem:s1+$0x20];
	[tilespmem:s31+$0x50] =	vst v20  }
0x285: {  	v20 =	vsub.f32 v12, v23;
	v12 =	vmov v22;
	v19 =	vand.u32 $0xFFFFFFFE, v19;
	v23 =	vld [tilespmem:s23+$0x60]  }
0x286: {  	v19 =	vbroadcast v19, $0x0;
	[tilespmem:s6+$0xFFFFFFA0] =	vst v25;
	v22 =	vld [tilespmem:s6+$0xFFFFFFB0];
	v17 =	vsub.f32 v4, v17;
	v4 =	vmovc v7;
	v7 =	vmov v13  }
0x287: {  	v20 =	vmul.f32 v20, v8;
	v25 =	vld [tilespmem:s1+$0xFFFFFFB0]  }
0x288: {  	v13 =	vld [tilespmem:s6+$0x70];
	v24 =	vsub.f32 v24, v26;
	v17 =	vmul.f32 v17, v3;
	v3 =	vmovc v5;
	v5 =	vmovc v8;
	v8 =	vmov v15  }
0x289: {  	s6 =	sadd.s32 $0x100, s6;
	v15 =	vsub.f32 v21, v29;
	v21 =	vld [tilespmem:s11+$0xFFFFFFF0];
	[tilespmem:s11+$0x40] =	vst v20  }
0x28a: {  	s1 =	sadd.s32 $0x100, s1;
	v20 =	vld [tilespmem:s6+$0xFFFFFF80];
	v24 =	vmul.f32 v24, v6;
	v23 =	vsub.f32 v9, v23;
	[tilespmem:s30+$0x70] =	vst v17;
	v9 =	vmovc v10;
	v10 =	vmov v16;
	s30 =	smov.u32 s31;
	s31 =	smov.u32 s11  }
0x28b: {  	s11 =	smov.u32 s13;
	s13 =	smov.u32 s6;
	v16 =	vld [tilespmem:s1+$0xFFFFFF80];
	v15 =	vmul.f32 v15, v8  }
0x28c: {  	v17 =	vld.idx.msk [tilespmem:v19+s24+$0x0], $0xffff;
	v19 =	vsub.f32 v22, v25;
	[tilespmem:s31+$0xFFFFFFE0] =	vst v24;
	v22 =	vmul.f32 v23, v3  }
0x28d: {  	[tilespmem:s11+$0x20] =	vst v15;
	v23 =	vld [tilespmem:s12+$0xFFFFFFF0]  }
0x28e: {  	v24 =	vld [tilespmem:s6+$0x0];
	v15 =	vmul.f32 v19, v11;
	[tilespmem:s30+$0x60] =	vst v22  }
0x28f: {  	v19 =	vld [tilespmem:s1+$0x0]  }
0x290: {  	v16 =	vsub.f32 v20, v16;
	[tilespmem:s11+$0xFFFFFFB0] =	vst v15;
	v20 =	vld [tilespmem:s11+$0xFFFFFFC0]  }
0x291: {  	v22 =	vld [tilespmem:s19+$0xFFFFFFC0]  }
0x292: {  	v16 =	vmul.f32 v16, v17;
	v15 =	vld.idx.msk [tilespmem:v28+s24+$0x0], $0xffff;
	v21 =	vsub.f32 v21, v23  }
0x293: {  	v23 =	vld [tilespmem:s6+$0x10]  }
0x294: {  	[tilespmem:s6+$0xFFFFFF80] =	vst v16;
	v16 =	vld [tilespmem:s6+$0xFFFFFF90];
	v19 =	vsub.f32 v24, v19;
	v24 =	vmul.f32 v21, v6;
	v6 =	vmovc v11;
	v11 =	vmov v17  }
0x295: {  	v17 =	vld [tilespmem:s1+$0xFFFFFF90]  }
0x296: {  	v21 =	vld [tilespmem:s6+$0x20];
	v20 =	vsub.f32 v20, v22;
	[tilespmem:s31+$0xFFFFFFF0] =	vst v24  }
0x297: {  	v24 =	vld [tilespmem:s19+$0x30]  }
0x298: {  	v19 =	vmul.f32 v19, v15;
	v25 =	vld [tilespmem:s6+$0x30];
	v20 =	vmul.f32 v20, v6  }
0x299: {  	v22 =	vld [tilespmem:s6+$0x40]  }
0x29a: {  	v16 =	vsub.f32 v16, v17;
	[tilespmem:s11+$0xFFFFFFC0] =	vst v20;
	v17 =	vld [tilespmem:s11+$0xFFFFFFD0]  }
0x29b: {  	[tilespmem:s6+$0x0] =	vst v19;
	v20 =	vld [tilespmem:s19+$0xFFFFFFD0]  }
0x29c: {  	v16 =	vmul.f32 v16, v11;
	v28 =	vld [tilespmem:s1+$0x10];
	v19 =	vsub.f32 v18, v24  }
0x29d: {  	v29 =	vld [tilespmem:s12+$0x50];
	v18 =	vmov v25  }
0x29e: {  	[tilespmem:s6+$0xFFFFFF90] =	vst v16;
	v25 =	vld [tilespmem:s6+$0xFFFFFFA0];
	v16 =	vmul.f32 v19, v8  }
.Ltmp8:
0x29f: {  	v26 =	vld [tilespmem:s1+$0xFFFFFFA0];
	(pc) =	sbr.rel @p0 .LBB2_20-.Ltmp8, $4  }
0x2a0: {  	v19 =	vld [tilespmem:s6+$0x50];
	v17 =	vsub.f32 v17, v20;
	[tilespmem:s11+$0x30] =	vst v16  }
0x2a1: {  	v28 =	vsub.f32 v23, v28;
	v23 =	vld [tilespmem:s19+$0x40]  }
0x2a2: {  	v16 =	vld [tilespmem:s6+$0x60];
	v24 =	vmul.f32 v17, v6;
	v20 =	vsub.f32 v14, v29;
	v14 =	vmov v27  }
0x2a3: {  	v27 =	vmul.f32 v28, v15;
	v17 =	vld [tilespmem:s23+$0x70];
	s23 =	smov.u32 s12;
	s12 =	smov.u32 s19;
	s19 =	smov.u32 s1  }
0x2a4: {  	_ = 	snop  }
0x2a5: {  	[tilespmem:s6+$0x10] =	vst v27  }
0x2a6: {  	v36 =	vld [tilespmem:s1+$0x20];
	_ =	sdelay $0x3  }
0x2a7: {  	v25 =	vsub.f32 v25, v26  }
0x2a8: {  	v21 =	vsub.f32 v21, v36  }
0x2a9: {  	v25 =	vmul.f32 v25, v11  }
0x2aa: {  	v37 =	vld [tilespmem:s6+$0xFFFFFFB0];
	v21 =	vmul.f32 v21, v15  }
0x2ab: {  	v39 =	vld [tilespmem:s6+$0x70];
	[tilespmem:s6+$0xFFFFFFA0] =	vst v25  }
0x2ac: {  	v38 =	vld [tilespmem:s1+$0xFFFFFFB0];
	[tilespmem:s13+$0x20] =	vst v21  }
0x2ad: {  	v41 =	vld [tilespmem:s19+$0x30];
	_ =	sdelay $0x3  }
0x2ae: {  	v40 =	vsub.f32 v37, v38  }
0x2af: {  	v18 =	vsub.f32 v18, v41  }
0x2b0: {  	v21 =	vmul.f32 v40, v11  }
0x2b1: {  	v18 =	vmul.f32 v18, v15  }
0x2b2: {  	v42 =	vld [tilespmem:s13+$0xFFFFFFC0];
	[tilespmem:s13+$0xFFFFFFB0] =	vst v21  }
0x2b3: {  	v43 =	vld [tilespmem:s19+$0xFFFFFFC0];
	[tilespmem:s13+$0x30] =	vst v18  }
0x2b4: {  	v18 =	vld [tilespmem:s19+$0x40];
	_ =	sdelay $0x2  }
0x2b5: {  	v12 =	vsub.f32 v12, v23  }
0x2b6: {  	v21 =	vsub.f32 v42, v43  }
0x2b7: {  	v12 =	vmul.f32 v12, v8;
	v18 =	vsub.f32 v22, v18  }
0x2b8: {  	v21 =	vmul.f32 v21, v11  }
0x2b9: {  	v44 =	vld [tilespmem:s13+$0xFFFFFFD0];
	[tilespmem:s11+$0x40] =	vst v12;
	v18 =	vmul.f32 v18, v15  }
0x2ba: {  	v12 =	vld [tilespmem:s12+$0x50];
	[tilespmem:s13+$0xFFFFFFC0] =	vst v21  }
0x2bb: {  	v45 =	vld [tilespmem:s19+$0xFFFFFFD0];
	[tilespmem:s13+$0x40] =	vst v18  }
0x2bc: {  	v18 =	vld [tilespmem:s19+$0x50];
	_ =	sdelay $0x2  }
0x2bd: {  	v20 =	vmul.f32 v20, v5;
	v12 =	vsub.f32 v14, v12  }
0x2be: {  	[tilespmem:s11+$0xFFFFFFD0] =	vst v24;
	v46 =	vld [tilespmem:s11+$0xFFFFFFE0];
	v21 =	vsub.f32 v44, v45  }
0x2bf: {  	v47 =	vld [tilespmem:s12+$0xFFFFFFE0];
	[tilespmem:s31+$0x50] =	vst v20;
	v12 =	vmul.f32 v12, v8;
	v18 =	vsub.f32 v19, v18  }
0x2c0: {  	v48 =	vld [tilespmem:s23+$0x60];
	v21 =	vmul.f32 v21, v11  }
0x2c1: {  	v49 =	vld [tilespmem:s13+$0xFFFFFFE0];
	[tilespmem:s11+$0x50] =	vst v12;
	v18 =	vmul.f32 v18, v15  }
0x2c2: {  	v12 =	vld [tilespmem:s12+$0x60];
	[tilespmem:s13+$0xFFFFFFD0] =	vst v21  }
0x2c3: {  	v21 =	vld [tilespmem:s19+$0xFFFFFFE0];
	[tilespmem:s13+$0x50] =	vst v18  }
0x2c4: {  	v18 =	vld [tilespmem:s19+$0x60]  }
0x2c5: {  	v9 =	vsub.f32 v9, v48  }
0x2c6: {  	v14 =	vsub.f32 v46, v47  }
0x2c7: {  	v9 =	vmul.f32 v9, v5;
	v10 =	vsub.f32 v10, v12  }
0x2c8: {  	v50 =	vld [tilespmem:s11+$0xFFFFFFF0];
	v14 =	vmul.f32 v14, v6;
	v20 =	vsub.f32 v49, v21  }
0x2c9: {  	v53 =	vld [tilespmem:s13+$0xFFFFFFF0];
	[tilespmem:s31+$0x60] =	vst v9;
	v10 =	vmul.f32 v10, v8;
	v16 =	vsub.f32 v16, v18  }
0x2ca: {  	v54 =	vld [tilespmem:s23+$0x70];
	[tilespmem:s11+$0xFFFFFFE0] =	vst v14;
	v52 =	vmul.f32 v20, v11  }
0x2cb: {  	v51 =	vld [tilespmem:s12+$0xFFFFFFF0];
	[tilespmem:s11+$0x60] =	vst v10;
	v55 =	vmul.f32 v16, v15  }
0x2cc: {  	v10 =	vld [tilespmem:s12+$0x70];
	[tilespmem:s13+$0xFFFFFFE0] =	vst v52  }
0x2cd: {  	v4 =	vsub.f32 v4, v17;
	v56 =	vld [tilespmem:s19+$0xFFFFFFF0];
	[tilespmem:s13+$0x60] =	vst v55  }
0x2ce: {  	v14 =	vld [tilespmem:s19+$0x70]  }
0x2cf: {  	v3 =	vmul.f32 v4, v3;
	v57 =	vsub.f32 v7, v54  }
0x2d0: {  	v12 =	vsub.f32 v50, v51  }
0x2d1: {  	[tilespmem:s30+$0x70] =	vst v3;
	v3 =	vmul.f32 v57, v5;
	v60 =	vsub.f32 v13, v10  }
0x2d2: {  	v58 =	vmul.f32 v12, v6;
	v59 =	vsub.f32 v53, v56  }
0x2d3: {  	[tilespmem:s31+$0x70] =	vst v3;
	v3 =	vmul.f32 v60, v8;
	v62 =	vsub.f32 v39, v14  }
0x2d4: {  	[tilespmem:s11+$0xFFFFFFF0] =	vst v58;
	v61 =	vmul.f32 v59, v11  }
0x2d5: {  	s31 =	sshll.u32 s29, $0x7;
	s29 =	sadd.s32 $0x1, s29;
	[tilespmem:s11+$0x70] =	vst v3;
	v63 =	vmul.f32 v62, v15  }
0x2d6: {  	p0 =	sne.s32 s29, $0x19;
	[tilespmem:s13+$0xFFFFFFF0] =	vst v61  }
.Ltmp9:
0x2d7: {  	s1 =	sand.u32 $0x3FFFFF80, s31;
	[tilespmem:s13+$0x70] =	vst v63;
	(pc) =	sbr.rel @p0 .LBB2_19-.Ltmp9, $4  }
0x2d8: {  	[spmem:s3] =	stream.indirect.scatter.add.f32 [tilespmem:s5], [sflag:$0x1], $0x80, s1, s10, $0xb8;
	[tilespmem:$0x1F580] =	vst v63  }
0x2d9: {  	_ =	swait.ge [sflag:s0], $0x2800  }
0x2da: {  	[sflag:s0] =	ssyncset.done $0x0  }
0x2db: {  	s28 =	sadd.s32 $0x50, s28;
	[sflag:s0] =	ssyncadd.s32 $0xFFFFD800  }
0x2dc: {  	s26 =	sadd.s32 $0x1, s26  }
0x2dd: {  	p0 =	sne.s32 s26, $0x5  }
.Ltmp10:
0x2de: {  	_ = 	snop;
	(pc) =	sbr.rel @p0 .LBB2_16-.Ltmp10, $1  }
0x2df: {  	_ =	sdelay $0x3  }
0x2e0: {  	[bflag:$0x0] =	sbarrier.arrive $0xFFFF  }
0x2e1: {  	s21 =	rddreg [dreg:$0xb]  }
0x2e2: {  	s8 =	rddreg [dreg:$0xa]  }
0x2e3: {  	s6 =	rddreg [dreg:$0x12];
	s1 =	sshrl.u32 s21, $0x3  }
0x2e4: {  	[hbm:s6], [sflag:s8] =	dma.local [spmem:s1], $0x2800  }
0x2e5: {  	_ =	swait.ge [sflag:s0], $0x2800  }
0x2e6: {  	s19 =	rddreg [dreg:$0x6]  }
0x2e7: {  	s31 =	rddreg [dreg:$0x13];
	s19 =	sadd.s32 $0x1, s19  }
0x2e8: {  	p0 =	sne.s32 s19, s31  }
.Ltmp11:
0x2e9: {  	_ = 	snop;
	(pc) =	sbr.rel @p0 .LBB2_1-.Ltmp11, $3  }
0x2ea: {  	_ =	sdelay $0x1  }
0x2eb: {  	[sflag:s0] =	ssyncset.done $0x0  }
0x2ec: {  	s23 =	rddreg [dreg:$0xc];
	[sflag:s0] =	ssyncadd.s32 $0xFFFFD800  }
0x2ed: {  	_ =	sfence.sel $0x180000  }
0x2ee: {  	[bflag:$0x0] =	sbarrier.arrive $0xFFFF  }
0x2ef: {  	_ =	strace $0x90000047  }
0x2f0: {  	s0 =	stileid.u32;
	[bflag:$0x2] =	sbarrier.arrive $0xFFFF  }
0x2f1: {  	p0 =	sne.s32 s0, $0x0;
	s0 =	rddreg [dreg:$0x5]  }
0x2f2: {  	s0 =	sadd.s32 @!p0 $0x100000, s0  }
0x2f3: {  	[sflag:s0] =	ssyncadd.tile.s32 @!p0 $0x1;
	_ =	shalt  }
.Lfunc_end2:
_tile_overlayer_lowered:
.L_overlay_start_2:
0x2f4: {  	(tag) =	ssettag $0x2  }
0x2f5: {  	s0 =	rddreg [dreg:$0x0];
	s2 =	stileid.u32  }
0x2f6: {  	s1 =	rddreg [dreg:$0x1];
	p0 =	sne.s32 s2, $0x0  }
0x2f7: {  	s3 =	rddreg [dreg:$0x2];
	[bflag:$0x3] =	sbarrier.arrive $0xFFFF;
	s2 =	simm.s32 @!p0 $0x1C01  }
0x2f8: {  	[timem:s3], [sflag:s2] =	dma.local @!p0 [hbm:s0], s1  }
0x2f9: {  	s0 =	simm.s32 @!p0 $0x1  }
0x2fa: {  	_ =	swait.ge @!p0 [sflag:s0], s1  }
0x2fb: {  	s1 =	ssub.s32 @!p0 $0x0, s1;
	[sflag:s0] =	ssyncset.done @!p0 $0x0  }
0x2fc: {  	[sflag:s0] =	ssyncadd.s32 @!p0 s1  }
0x2fd: {  	[bflag:$0x3] =	sbarrier.arrive $0xFFFF  }
0x2fe: {  	_ =	shalt  }

</sc_bundles>
